<compile_context>
chip_gen: v7x
topology: tpu7x:2x2x1
jax: 0.10.2.dev20260603
libtpu: 0.0.44.dev20260713+nightly
codegen_flags: <defaults>
</compile_context>

<pallas_src>
import functools

import jax
import jax.numpy as jnp
from jax import lax
from jax.experimental import pallas as pl
from jax.experimental.pallas import tpu as pltpu
from jax.experimental.pallas import tpu_sc as plsc

_NBUF = 5


@functools.lru_cache(maxsize=None)
def _build_gather(Bt, S, D, NC, NS, C):
    NW = NC * NS
    B = Bt * S
    b_per_w = B // NW
    s_per_w = S // b_per_w
    nch = b_per_w // C
    nbuf = min(_NBUF, nch)
    mesh = plsc.VectorSubcoreMesh(core_axis_name="c", subcore_axis_name="s")

    @functools.partial(
        pl.kernel,
        mesh=mesh,
        out_type=jax.ShapeDtypeStruct((Bt, S, D), jnp.float32),
        scratch_types=[pltpu.VMEM((b_per_w,), jnp.int32)]
        + [pltpu.VMEM((C, D), jnp.float32) for _ in range(nbuf)]
        + [pltpu.SemaphoreType.DMA for _ in range(2 * nbuf)],
    )
    def gather_kernel(idx_hbm, table_hbm, out_hbm, idx_v, *bufs_and_sems):
        bufs = bufs_and_sems[:nbuf]
        gsems = bufs_and_sems[nbuf : 2 * nbuf]
        osems = bufs_and_sems[2 * nbuf :]
        cid = lax.axis_index("c")
        sid = lax.axis_index("s")
        wid = sid * NC + cid
        bq = wid // s_per_w
        s0 = (wid % s_per_w) * b_per_w
        pltpu.sync_copy(idx_hbm.at[bq, pl.ds(s0, b_per_w)], idx_v)

        def gather(j, b):
            return pltpu.async_copy(
                table_hbm.at[idx_v.at[pl.ds(j * C, C)]], bufs[b], gsems[b]
            )

        depth = nbuf - 1
        gh = [gather(k, k) for k in range(depth)] + [None] * (nbuf - depth)
        oh = [None] * nbuf
        waited = [False] * nbuf
        for j in range(nch):
            b = j % nbuf
            nx = j + depth
            if nx < nch:
                pb = nx % nbuf
                if oh[pb] is not None:
                    oh[pb].wait()
                    waited[pb] = True
                gh[pb] = gather(nx, pb)
            gh[b].wait()
            oh[b] = pltpu.async_copy(
                bufs[b], out_hbm.at[bq, pl.ds(s0 + j * C, C)], osems[b]
            )
            waited[b] = False
        for b in range(nbuf):
            if oh[b] is not None and not waited[b]:
                oh[b].wait()

    return gather_kernel


def kernel(token_ids, table):
    V, D = table.shape
    Bt, S = token_ids.shape
    info = plsc.get_sparse_core_info()
    NC, NS = info.num_cores, info.num_subcores
    C = 16
    idx = token_ids.astype(jnp.int32)
    return _build_gather(Bt, S, D, NC, NS, C)(idx, table)

# --- scband reference (transcript-rebuilt; emitter-appended) ---
"""Pipeline reference for scband-token-embedding-export-25477746000422 (READ-ONLY COPY).

The authoritative reference and input builder live on the scoring server;
editing this copy changes nothing except your own understanding.
"""

import jax, jax.numpy as jnp
import numpy as np

VOCAB = 262144
HIDDEN = 1536
BATCH = 4
SEQ = 2048

def setup_inputs(seed: int = 0) -> dict:
    key = jax.random.key(seed)
    k_tab, k_idx = jax.random.split(key)
    table = jax.random.normal(k_tab, (VOCAB, HIDDEN), dtype=jnp.float32) * 0.02
    token_ids = jax.random.randint(k_idx, (BATCH, SEQ), 0, VOCAB, dtype=jnp.int64)
    return {"token_ids": token_ids, "table": table}

def reference(token_ids, table):
    # nn.Embedding lookup: returns raw (unscaled) embeddings
    return jnp.take(table, token_ids, axis=0)

if __name__ == "__main__":
    import jax
    _d = setup_inputs()
    print(jax.jit(kernel)(*tuple(_d.values())))

</pallas_src>

<mosaic_0001>
#map = affine_map<(d0, d1) -> (0, 0)>
#map1 = affine_map<(d0, d1) -> (0, 0, 0)>
module attributes {stable_mosaic.version = 14 : i64} {
  func.func @gather_kernel(%arg0: i32, %arg1: i32, %arg2: memref<4x2048xi32, #tpu.memory_space<hbm>>, %arg3: memref<262144x1536xf32, #tpu.memory_space<hbm>>, %arg4: memref<4x2048x1536xf32, #tpu.memory_space<hbm>>, %arg5: memref<256xi32, #tpu.memory_space<vmem>>, %arg6: memref<16x1536xf32, #tpu.memory_space<vmem>>, %arg7: memref<16x1536xf32, #tpu.memory_space<vmem>>, %arg8: memref<16x1536xf32, #tpu.memory_space<vmem>>, %arg9: memref<16x1536xf32, #tpu.memory_space<vmem>>, %arg10: memref<16x1536xf32, #tpu.memory_space<vmem>>, %arg11: memref<!tpu.dma_semaphore, #tpu.memory_space<semaphore_mem>>, %arg12: memref<!tpu.dma_semaphore, #tpu.memory_space<semaphore_mem>>, %arg13: memref<!tpu.dma_semaphore, #tpu.memory_space<semaphore_mem>>, %arg14: memref<!tpu.dma_semaphore, #tpu.memory_space<semaphore_mem>>, %arg15: memref<!tpu.dma_semaphore, #tpu.memory_space<semaphore_mem>>, %arg16: memref<!tpu.dma_semaphore, #tpu.memory_space<semaphore_mem>>, %arg17: memref<!tpu.dma_semaphore, #tpu.memory_space<semaphore_mem>>, %arg18: memref<!tpu.dma_semaphore, #tpu.memory_space<semaphore_mem>>, %arg19: memref<!tpu.dma_semaphore, #tpu.memory_space<semaphore_mem>>, %arg20: memref<!tpu.dma_semaphore, #tpu.memory_space<semaphore_mem>>) attributes {dimension_semantics = [#tpu.dimension_semantics<core_parallel>, #tpu.dimension_semantics<subcore_parallel>], iteration_bounds = array<i64: 2, 16>, scalar_prefetch = 0 : i64, scratch_operands = 16 : i64, tpu.core_type = #tpu.core_type<sc_vector_subcore>, window_params = [{transform_indices = #map}, {transform_indices = #map}, {transform_indices = #map1}]} {
    %mul3A = arith.constant 2 : i32
    %mul3A_0 = arith.muli %arg1, %mul3A : i32
    %add3A = arith.addi %mul3A_0, %arg0 : i32
    %jit3A = arith.constant 8 : i32
    %div3A = arith.divsi %add3A, %jit3A : i32
    %sign3A = arith.constant 0 : i32
    %sign3A_1 = arith.cmpi sgt, %add3A, %sign3A : i32
    %sign3A_2 = arith.extui %sign3A_1 : i1 to i32
    %sign3A_3 = arith.constant 0 : i32
    %sign3A_4 = arith.cmpi slt, %add3A, %sign3A_3 : i32
    %sign3A_5 = arith.extui %sign3A_4 : i1 to i32
    %sign3A_6 = arith.subi %sign3A_2, %sign3A_5 : i32
    %sign3A_7 = arith.constant 0 : i32
    %sign3A_8 = arith.cmpi sgt, %jit3A, %sign3A_7 : i32
    %sign3A_9 = arith.extui %sign3A_8 : i1 to i32
    %sign3A_10 = arith.constant 0 : i32
    %sign3A_11 = arith.cmpi slt, %jit3A, %sign3A_10 : i32
    %sign3A_12 = arith.extui %sign3A_11 : i1 to i32
    %sign3A_13 = arith.subi %sign3A_9, %sign3A_12 : i32
    %ne3A = arith.cmpi ne, %sign3A_6, %sign3A_13 : i32
    %rem3A = arith.remsi %add3A, %jit3A : i32
    %ne3A_14 = arith.constant 0 : i32
    %ne3A_15 = arith.cmpi ne, %rem3A, %ne3A_14 : i32
    %and3A = arith.andi %ne3A, %ne3A_15 : i1
    %sub3A = arith.constant 1 : i32
    %sub3A_16 = arith.subi %div3A, %sub3A : i32
    %select_n3A = arith.select %and3A, %sub3A_16, %div3A : i32
    %jit3A_17 = arith.constant 8 : i32
    %eq3A = arith.constant 0 : i32
    %eq3A_18 = arith.cmpi eq, %jit3A_17, %eq3A : i32
    %jit3A_19 = arith.constant 1 : i32
    %select_n3A_20 = arith.select %eq3A_18, %jit3A_19, %jit3A_17 : i32
    %rem3A_21 = arith.remsi %add3A, %select_n3A_20 : i32
    %ne3A_22 = arith.constant 0 : i32
    %ne3A_23 = arith.cmpi ne, %rem3A_21, %ne3A_22 : i32
    %lt3A = arith.constant 0 : i32
    %lt3A_24 = arith.cmpi slt, %rem3A_21, %lt3A : i32
    %lt3A_25 = arith.constant 0 : i32
    %lt3A_26 = arith.cmpi slt, %select_n3A_20, %lt3A_25 : i32
    %ne3A_27 = arith.xori %lt3A_24, %lt3A_26 : i1
    %and3A_28 = arith.andi %ne3A_27, %ne3A_23 : i1
    %add3A_29 = arith.addi %rem3A_21, %select_n3A_20 : i32
    %select_n3A_30 = arith.select %and3A_28, %add3A_29, %rem3A_21 : i32
    %mul3A_31 = arith.constant 256 : i32
    %mul3A_32 = arith.muli %select_n3A_30, %mul3A_31 : i32
    "tpu.region"() ({
      %run_scoped3A = tpu.sem_alloc : memref<!tpu.dma_semaphore, #tpu.memory_space<semaphore_mem>>
      %dma_start3A_415 = tpu.memref_slice %arg2[%select_n3A, %mul3A_32] : memref<4x2048xi32, #tpu.memory_space<hbm>> -> memref<1x256xi32, #tpu.memory_space<hbm>>
      %dma_start3A_416 = tpu.memref_squeeze %dma_start3A_415 : memref<1x256xi32, #tpu.memory_space<hbm>> -> memref<256xi32, #tpu.memory_space<hbm>>
      %dma_start3A_417 = tpu.memref_slice %arg2[%select_n3A, %mul3A_32] : memref<4x2048xi32, #tpu.memory_space<hbm>> -> memref<1x256xi32, #tpu.memory_space<hbm>>
      %dma_start3A_418 = tpu.memref_squeeze %dma_start3A_417 : memref<1x256xi32, #tpu.memory_space<hbm>> -> memref<256xi32, #tpu.memory_space<hbm>>
      tpu.enqueue_dma source(%dma_start3A_418 : memref<256xi32, #tpu.memory_space<hbm>>) target(%arg5 : memref<256xi32, #tpu.memory_space<vmem>>) target_semaphore(%run_scoped3A : memref<!tpu.dma_semaphore, #tpu.memory_space<semaphore_mem>>)
      %dma_wait3A_419 = tpu.memref_slice %arg2[%select_n3A, %mul3A_32] : memref<4x2048xi32, #tpu.memory_space<hbm>> -> memref<1x256xi32, #tpu.memory_space<hbm>>
      %dma_wait3A_420 = tpu.memref_squeeze %dma_wait3A_419 : memref<1x256xi32, #tpu.memory_space<hbm>> -> memref<256xi32, #tpu.memory_space<hbm>>
      %dma_wait3A_421 = tpu.memref_slice %arg2[%select_n3A, %mul3A_32] : memref<4x2048xi32, #tpu.memory_space<hbm>> -> memref<1x256xi32, #tpu.memory_space<hbm>>
      %dma_wait3A_422 = tpu.memref_squeeze %dma_wait3A_421 : memref<1x256xi32, #tpu.memory_space<hbm>> -> memref<256xi32, #tpu.memory_space<hbm>>
      tpu.wait_dma2 semaphore(%run_scoped3A : memref<!tpu.dma_semaphore, #tpu.memory_space<semaphore_mem>>) src(%dma_wait3A_422 : memref<256xi32, #tpu.memory_space<hbm>>) dst(%arg5 : memref<256xi32, #tpu.memory_space<vmem>>)
      tpu.yield
    }) : () -> ()
    %dma_start3A = arith.constant 0 : i32
    %dma_start3A_33 = tpu.memref_slice %arg5[%dma_start3A] : memref<256xi32, #tpu.memory_space<vmem>> -> memref<16xi32, #tpu.memory_space<vmem>>
    %dma_start3A_34 = arith.constant 0 : i32
    %dma_start3A_35 = arith.constant 0 : i32
    %dma_start3A_36 = tpu.memref_slice %arg3[%dma_start3A_34, %dma_start3A_35] : memref<262144x1536xf32, #tpu.memory_space<hbm>> -> memref<262144x1536xf32, #tpu.memory_space<hbm>>
    tpu.enqueue_indirect_dma source(%dma_start3A_36 : memref<262144x1536xf32, #tpu.memory_space<hbm>>) target(%arg6 : memref<16x1536xf32, #tpu.memory_space<vmem>>) offsets(%dma_start3A_33 : memref<16xi32, #tpu.memory_space<vmem>>) semaphore(%arg11 : memref<!tpu.dma_semaphore, #tpu.memory_space<semaphore_mem>>)
    %dma_start3A_37 = arith.constant 16 : i32
    %dma_start3A_38 = tpu.memref_slice %arg5[%dma_start3A_37] : memref<256xi32, #tpu.memory_space<vmem>> -> memref<16xi32, #tpu.memory_space<vmem>>
    %dma_start3A_39 = arith.constant 0 : i32
    %dma_start3A_40 = arith.constant 0 : i32
    %dma_start3A_41 = tpu.memref_slice %arg3[%dma_start3A_39, %dma_start3A_40] : memref<262144x1536xf32, #tpu.memory_space<hbm>> -> memref<262144x1536xf32, #tpu.memory_space<hbm>>
    tpu.enqueue_indirect_dma source(%dma_start3A_41 : memref<262144x1536xf32, #tpu.memory_space<hbm>>) target(%arg7 : memref<16x1536xf32, #tpu.memory_space<vmem>>) offsets(%dma_start3A_38 : memref<16xi32, #tpu.memory_space<vmem>>) semaphore(%arg12 : memref<!tpu.dma_semaphore, #tpu.memory_space<semaphore_mem>>)
    %dma_start3A_42 = arith.constant 32 : i32
    %dma_start3A_43 = tpu.memref_slice %arg5[%dma_start3A_42] : memref<256xi32, #tpu.memory_space<vmem>> -> memref<16xi32, #tpu.memory_space<vmem>>
    %dma_start3A_44 = arith.constant 0 : i32
    %dma_start3A_45 = arith.constant 0 : i32
    %dma_start3A_46 = tpu.memref_slice %arg3[%dma_start3A_44, %dma_start3A_45] : memref<262144x1536xf32, #tpu.memory_space<hbm>> -> memref<262144x1536xf32, #tpu.memory_space<hbm>>
    tpu.enqueue_indirect_dma source(%dma_start3A_46 : memref<262144x1536xf32, #tpu.memory_space<hbm>>) target(%arg8 : memref<16x1536xf32, #tpu.memory_space<vmem>>) offsets(%dma_start3A_43 : memref<16xi32, #tpu.memory_space<vmem>>) semaphore(%arg13 : memref<!tpu.dma_semaphore, #tpu.memory_space<semaphore_mem>>)
    %dma_start3A_47 = arith.constant 48 : i32
    %dma_start3A_48 = tpu.memref_slice %arg5[%dma_start3A_47] : memref<256xi32, #tpu.memory_space<vmem>> -> memref<16xi32, #tpu.memory_space<vmem>>
    %dma_start3A_49 = arith.constant 0 : i32
    %dma_start3A_50 = arith.constant 0 : i32
    %dma_start3A_51 = tpu.memref_slice %arg3[%dma_start3A_49, %dma_start3A_50] : memref<262144x1536xf32, #tpu.memory_space<hbm>> -> memref<262144x1536xf32, #tpu.memory_space<hbm>>
    tpu.enqueue_indirect_dma source(%dma_start3A_51 : memref<262144x1536xf32, #tpu.memory_space<hbm>>) target(%arg9 : memref<16x1536xf32, #tpu.memory_space<vmem>>) offsets(%dma_start3A_48 : memref<16xi32, #tpu.memory_space<vmem>>) semaphore(%arg14 : memref<!tpu.dma_semaphore, #tpu.memory_space<semaphore_mem>>)
    %dma_start3A_52 = arith.constant 64 : i32
    %dma_start3A_53 = tpu.memref_slice %arg5[%dma_start3A_52] : memref<256xi32, #tpu.memory_space<vmem>> -> memref<16xi32, #tpu.memory_space<vmem>>
    %dma_start3A_54 = arith.constant 0 : i32
    %dma_start3A_55 = arith.constant 0 : i32
    %dma_start3A_56 = tpu.memref_slice %arg3[%dma_start3A_54, %dma_start3A_55] : memref<262144x1536xf32, #tpu.memory_space<hbm>> -> memref<262144x1536xf32, #tpu.memory_space<hbm>>
    tpu.enqueue_indirect_dma source(%dma_start3A_56 : memref<262144x1536xf32, #tpu.memory_space<hbm>>) target(%arg10 : memref<16x1536xf32, #tpu.memory_space<vmem>>) offsets(%dma_start3A_53 : memref<16xi32, #tpu.memory_space<vmem>>) semaphore(%arg15 : memref<!tpu.dma_semaphore, #tpu.memory_space<semaphore_mem>>)
    %dma_wait3A = arith.constant 0 : i32
    %dma_wait3A_57 = tpu.memref_slice %arg5[%dma_wait3A] : memref<256xi32, #tpu.memory_space<vmem>> -> memref<16xi32, #tpu.memory_space<vmem>>
    %dma_wait3A_58 = arith.constant 0 : i32
    %dma_wait3A_59 = arith.constant 0 : i32
    %dma_wait3A_60 = tpu.memref_slice %arg3[%dma_wait3A_58, %dma_wait3A_59] : memref<262144x1536xf32, #tpu.memory_space<hbm>> -> memref<262144x1536xf32, #tpu.memory_space<hbm>>
    tpu.wait_indirect_dma semaphore(%arg11 : memref<!tpu.dma_semaphore, #tpu.memory_space<semaphore_mem>>) src(%dma_wait3A_60 : memref<262144x1536xf32, #tpu.memory_space<hbm>>) dst(%arg6 : memref<16x1536xf32, #tpu.memory_space<vmem>>)
    %add3A_61 = arith.constant 0 : i32
    %add3A_62 = arith.addi %mul3A_32, %add3A_61 : i32
    %dma_start3A_63 = arith.constant 0 : i32
    %dma_start3A_64 = tpu.memref_slice %arg4[%select_n3A, %add3A_62, %dma_start3A_63] : memref<4x2048x1536xf32, #tpu.memory_space<hbm>> -> memref<1x16x1536xf32, #tpu.memory_space<hbm>>
    %dma_start3A_65 = tpu.memref_squeeze %dma_start3A_64 : memref<1x16x1536xf32, #tpu.memory_space<hbm>> -> memref<16x1536xf32, #tpu.memory_space<hbm>>
    %dma_start3A_66 = arith.constant 0 : i32
    %dma_start3A_67 = tpu.memref_slice %arg4[%select_n3A, %add3A_62, %dma_start3A_66] : memref<4x2048x1536xf32, #tpu.memory_space<hbm>> -> memref<1x16x1536xf32, #tpu.memory_space<hbm>>
    %dma_start3A_68 = tpu.memref_squeeze %dma_start3A_67 : memref<1x16x1536xf32, #tpu.memory_space<hbm>> -> memref<16x1536xf32, #tpu.memory_space<hbm>>
    tpu.enqueue_dma source(%arg6 : memref<16x1536xf32, #tpu.memory_space<vmem>>) target(%dma_start3A_68 : memref<16x1536xf32, #tpu.memory_space<hbm>>) target_semaphore(%arg16 : memref<!tpu.dma_semaphore, #tpu.memory_space<semaphore_mem>>)
    %dma_wait3A_69 = arith.constant 0 : i32
    %dma_wait3A_70 = tpu.memref_slice %arg4[%select_n3A, %add3A_62, %dma_wait3A_69] : memref<4x2048x1536xf32, #tpu.memory_space<hbm>> -> memref<1x16x1536xf32, #tpu.memory_space<hbm>>
    %dma_wait3A_71 = tpu.memref_squeeze %dma_wait3A_70 : memref<1x16x1536xf32, #tpu.memory_space<hbm>> -> memref<16x1536xf32, #tpu.memory_space<hbm>>
    %dma_wait3A_72 = arith.constant 0 : i32
    %dma_wait3A_73 = tpu.memref_slice %arg4[%select_n3A, %add3A_62, %dma_wait3A_72] : memref<4x2048x1536xf32, #tpu.memory_space<hbm>> -> memref<1x16x1536xf32, #tpu.memory_space<hbm>>
    %dma_wait3A_74 = tpu.memref_squeeze %dma_wait3A_73 : memref<1x16x1536xf32, #tpu.memory_space<hbm>> -> memref<16x1536xf32, #tpu.memory_space<hbm>>
    tpu.wait_dma2 semaphore(%arg16 : memref<!tpu.dma_semaphore, #tpu.memory_space<semaphore_mem>>) src(%arg6 : memref<16x1536xf32, #tpu.memory_space<vmem>>) dst(%dma_wait3A_74 : memref<16x1536xf32, #tpu.memory_space<hbm>>)
    %dma_start3A_75 = arith.constant 80 : i32
    %dma_start3A_76 = tpu.memref_slice %arg5[%dma_start3A_75] : memref<256xi32, #tpu.memory_space<vmem>> -> memref<16xi32, #tpu.memory_space<vmem>>
    %dma_start3A_77 = arith.constant 0 : i32
    %dma_start3A_78 = arith.constant 0 : i32
    %dma_start3A_79 = tpu.memref_slice %arg3[%dma_start3A_77, %dma_start3A_78] : memref<262144x1536xf32, #tpu.memory_space<hbm>> -> memref<262144x1536xf32, #tpu.memory_space<hbm>>
    tpu.enqueue_indirect_dma source(%dma_start3A_79 : memref<262144x1536xf32, #tpu.memory_space<hbm>>) target(%arg6 : memref<16x1536xf32, #tpu.memory_space<vmem>>) offsets(%dma_start3A_76 : memref<16xi32, #tpu.memory_space<vmem>>) semaphore(%arg11 : memref<!tpu.dma_semaphore, #tpu.memory_space<semaphore_mem>>)
    %dma_wait3A_80 = arith.constant 16 : i32
    %dma_wait3A_81 = tpu.memref_slice %arg5[%dma_wait3A_80] : memref<256xi32, #tpu.memory_space<vmem>> -> memref<16xi32, #tpu.memory_space<vmem>>
    %dma_wait3A_82 = arith.constant 0 : i32
    %dma_wait3A_83 = arith.constant 0 : i32
    %dma_wait3A_84 = tpu.memref_slice %arg3[%dma_wait3A_82, %dma_wait3A_83] : memref<262144x1536xf32, #tpu.memory_space<hbm>> -> memref<262144x1536xf32, #tpu.memory_space<hbm>>
    tpu.wait_indirect_dma semaphore(%arg12 : memref<!tpu.dma_semaphore, #tpu.memory_space<semaphore_mem>>) src(%dma_wait3A_84 : memref<262144x1536xf32, #tpu.memory_space<hbm>>) dst(%arg7 : memref<16x1536xf32, #tpu.memory_space<vmem>>)
    %add3A_85 = arith.constant 16 : i32
    %add3A_86 = arith.addi %mul3A_32, %add3A_85 : i32
    %dma_start3A_87 = arith.constant 0 : i32
    %dma_start3A_88 = tpu.memref_slice %arg4[%select_n3A, %add3A_86, %dma_start3A_87] : memref<4x2048x1536xf32, #tpu.memory_space<hbm>> -> memref<1x16x1536xf32, #tpu.memory_space<hbm>>
    %dma_start3A_89 = tpu.memref_squeeze %dma_start3A_88 : memref<1x16x1536xf32, #tpu.memory_space<hbm>> -> memref<16x1536xf32, #tpu.memory_space<hbm>>
    %dma_start3A_90 = arith.constant 0 : i32
    %dma_start3A_91 = tpu.memref_slice %arg4[%select_n3A, %add3A_86, %dma_start3A_90] : memref<4x2048x1536xf32, #tpu.memory_space<hbm>> -> memref<1x16x1536xf32, #tpu.memory_space<hbm>>
    %dma_start3A_92 = tpu.memref_squeeze %dma_start3A_91 : memref<1x16x1536xf32, #tpu.memory_space<hbm>> -> memref<16x1536xf32, #tpu.memory_space<hbm>>
    tpu.enqueue_dma source(%arg7 : memref<16x1536xf32, #tpu.memory_space<vmem>>) target(%dma_start3A_92 : memref<16x1536xf32, #tpu.memory_space<hbm>>) target_semaphore(%arg17 : memref<!tpu.dma_semaphore, #tpu.memory_space<semaphore_mem>>)
    %dma_wait3A_93 = arith.constant 0 : i32
    %dma_wait3A_94 = tpu.memref_slice %arg4[%select_n3A, %add3A_86, %dma_wait3A_93] : memref<4x2048x1536xf32, #tpu.memory_space<hbm>> -> memref<1x16x1536xf32, #tpu.memory_space<hbm>>
    %dma_wait3A_95 = tpu.memref_squeeze %dma_wait3A_94 : memref<1x16x1536xf32, #tpu.memory_space<hbm>> -> memref<16x1536xf32, #tpu.memory_space<hbm>>
    %dma_wait3A_96 = arith.constant 0 : i32
    %dma_wait3A_97 = tpu.memref_slice %arg4[%select_n3A, %add3A_86, %dma_wait3A_96] : memref<4x2048x1536xf32, #tpu.memory_space<hbm>> -> memref<1x16x1536xf32, #tpu.memory_space<hbm>>
    %dma_wait3A_98 = tpu.memref_squeeze %dma_wait3A_97 : memref<1x16x1536xf32, #tpu.memory_space<hbm>> -> memref<16x1536xf32, #tpu.memory_space<hbm>>
    tpu.wait_dma2 semaphore(%arg17 : memref<!tpu.dma_semaphore, #tpu.memory_space<semaphore_mem>>) src(%arg7 : memref<16x1536xf32, #tpu.memory_space<vmem>>) dst(%dma_wait3A_98 : memref<16x1536xf32, #tpu.memory_space<hbm>>)
    %dma_start3A_99 = arith.constant 96 : i32
    %dma_start3A_100 = tpu.memref_slice %arg5[%dma_start3A_99] : memref<256xi32, #tpu.memory_space<vmem>> -> memref<16xi32, #tpu.memory_space<vmem>>
    %dma_start3A_101 = arith.constant 0 : i32
    %dma_start3A_102 = arith.constant 0 : i32
    %dma_start3A_103 = tpu.memref_slice %arg3[%dma_start3A_101, %dma_start3A_102] : memref<262144x1536xf32, #tpu.memory_space<hbm>> -> memref<262144x1536xf32, #tpu.memory_space<hbm>>
    tpu.enqueue_indirect_dma source(%dma_start3A_103 : memref<262144x1536xf32, #tpu.memory_space<hbm>>) target(%arg7 : memref<16x1536xf32, #tpu.memory_space<vmem>>) offsets(%dma_start3A_100 : memref<16xi32, #tpu.memory_space<vmem>>) semaphore(%arg12 : memref<!tpu.dma_semaphore, #tpu.memory_space<semaphore_mem>>)
    %dma_wait3A_104 = arith.constant 32 : i32
    %dma_wait3A_105 = tpu.memref_slice %arg5[%dma_wait3A_104] : memref<256xi32, #tpu.memory_space<vmem>> -> memref<16xi32, #tpu.memory_space<vmem>>
    %dma_wait3A_106 = arith.constant 0 : i32
    %dma_wait3A_107 = arith.constant 0 : i32
    %dma_wait3A_108 = tpu.memref_slice %arg3[%dma_wait3A_106, %dma_wait3A_107] : memref<262144x1536xf32, #tpu.memory_space<hbm>> -> memref<262144x1536xf32, #tpu.memory_space<hbm>>
    tpu.wait_indirect_dma semaphore(%arg13 : memref<!tpu.dma_semaphore, #tpu.memory_space<semaphore_mem>>) src(%dma_wait3A_108 : memref<262144x1536xf32, #tpu.memory_space<hbm>>) dst(%arg8 : memref<16x1536xf32, #tpu.memory_space<vmem>>)
    %add3A_109 = arith.constant 32 : i32
    %add3A_110 = arith.addi %mul3A_32, %add3A_109 : i32
    %dma_start3A_111 = arith.constant 0 : i32
    %dma_start3A_112 = tpu.memref_slice %arg4[%select_n3A, %add3A_110, %dma_start3A_111] : memref<4x2048x1536xf32, #tpu.memory_space<hbm>> -> memref<1x16x1536xf32, #tpu.memory_space<hbm>>
    %dma_start3A_113 = tpu.memref_squeeze %dma_start3A_112 : memref<1x16x1536xf32, #tpu.memory_space<hbm>> -> memref<16x1536xf32, #tpu.memory_space<hbm>>
    %dma_start3A_114 = arith.constant 0 : i32
    %dma_start3A_115 = tpu.memref_slice %arg4[%select_n3A, %add3A_110, %dma_start3A_114] : memref<4x2048x1536xf32, #tpu.memory_space<hbm>> -> memref<1x16x1536xf32, #tpu.memory_space<hbm>>
    %dma_start3A_116 = tpu.memref_squeeze %dma_start3A_115 : memref<1x16x1536xf32, #tpu.memory_space<hbm>> -> memref<16x1536xf32, #tpu.memory_space<hbm>>
    tpu.enqueue_dma source(%arg8 : memref<16x1536xf32, #tpu.memory_space<vmem>>) target(%dma_start3A_116 : memref<16x1536xf32, #tpu.memory_space<hbm>>) target_semaphore(%arg18 : memref<!tpu.dma_semaphore, #tpu.memory_space<semaphore_mem>>)
    %dma_wait3A_117 = arith.constant 0 : i32
    %dma_wait3A_118 = tpu.memref_slice %arg4[%select_n3A, %add3A_110, %dma_wait3A_117] : memref<4x2048x1536xf32, #tpu.memory_space<hbm>> -> memref<1x16x1536xf32, #tpu.memory_space<hbm>>
    %dma_wait3A_119 = tpu.memref_squeeze %dma_wait3A_118 : memref<1x16x1536xf32, #tpu.memory_space<hbm>> -> memref<16x1536xf32, #tpu.memory_space<hbm>>
    %dma_wait3A_120 = arith.constant 0 : i32
    %dma_wait3A_121 = tpu.memref_slice %arg4[%select_n3A, %add3A_110, %dma_wait3A_120] : memref<4x2048x1536xf32, #tpu.memory_space<hbm>> -> memref<1x16x1536xf32, #tpu.memory_space<hbm>>
    %dma_wait3A_122 = tpu.memref_squeeze %dma_wait3A_121 : memref<1x16x1536xf32, #tpu.memory_space<hbm>> -> memref<16x1536xf32, #tpu.memory_space<hbm>>
    tpu.wait_dma2 semaphore(%arg18 : memref<!tpu.dma_semaphore, #tpu.memory_space<semaphore_mem>>) src(%arg8 : memref<16x1536xf32, #tpu.memory_space<vmem>>) dst(%dma_wait3A_122 : memref<16x1536xf32, #tpu.memory_space<hbm>>)
    %dma_start3A_123 = arith.constant 112 : i32
    %dma_start3A_124 = tpu.memref_slice %arg5[%dma_start3A_123] : memref<256xi32, #tpu.memory_space<vmem>> -> memref<16xi32, #tpu.memory_space<vmem>>
    %dma_start3A_125 = arith.constant 0 : i32
    %dma_start3A_126 = arith.constant 0 : i32
    %dma_start3A_127 = tpu.memref_slice %arg3[%dma_start3A_125, %dma_start3A_126] : memref<262144x1536xf32, #tpu.memory_space<hbm>> -> memref<262144x1536xf32, #tpu.memory_space<hbm>>
    tpu.enqueue_indirect_dma source(%dma_start3A_127 : memref<262144x1536xf32, #tpu.memory_space<hbm>>) target(%arg8 : memref<16x1536xf32, #tpu.memory_space<vmem>>) offsets(%dma_start3A_124 : memref<16xi32, #tpu.memory_space<vmem>>) semaphore(%arg13 : memref<!tpu.dma_semaphore, #tpu.memory_space<semaphore_mem>>)
    %dma_wait3A_128 = arith.constant 48 : i32
    %dma_wait3A_129 = tpu.memref_slice %arg5[%dma_wait3A_128] : memref<256xi32, #tpu.memory_space<vmem>> -> memref<16xi32, #tpu.memory_space<vmem>>
    %dma_wait3A_130 = arith.constant 0 : i32
    %dma_wait3A_131 = arith.constant 0 : i32
    %dma_wait3A_132 = tpu.memref_slice %arg3[%dma_wait3A_130, %dma_wait3A_131] : memref<262144x1536xf32, #tpu.memory_space<hbm>> -> memref<262144x1536xf32, #tpu.memory_space<hbm>>
    tpu.wait_indirect_dma semaphore(%arg14 : memref<!tpu.dma_semaphore, #tpu.memory_space<semaphore_mem>>) src(%dma_wait3A_132 : memref<262144x1536xf32, #tpu.memory_space<hbm>>) dst(%arg9 : memref<16x1536xf32, #tpu.memory_space<vmem>>)
    %add3A_133 = arith.constant 48 : i32
    %add3A_134 = arith.addi %mul3A_32, %add3A_133 : i32
    %dma_start3A_135 = arith.constant 0 : i32
    %dma_start3A_136 = tpu.memref_slice %arg4[%select_n3A, %add3A_134, %dma_start3A_135] : memref<4x2048x1536xf32, #tpu.memory_space<hbm>> -> memref<1x16x1536xf32, #tpu.memory_space<hbm>>
    %dma_start3A_137 = tpu.memref_squeeze %dma_start3A_136 : memref<1x16x1536xf32, #tpu.memory_space<hbm>> -> memref<16x1536xf32, #tpu.memory_space<hbm>>
    %dma_start3A_138 = arith.constant 0 : i32
    %dma_start3A_139 = tpu.memref_slice %arg4[%select_n3A, %add3A_134, %dma_start3A_138] : memref<4x2048x1536xf32, #tpu.memory_space<hbm>> -> memref<1x16x1536xf32, #tpu.memory_space<hbm>>
    %dma_start3A_140 = tpu.memref_squeeze %dma_start3A_139 : memref<1x16x1536xf32, #tpu.memory_space<hbm>> -> memref<16x1536xf32, #tpu.memory_space<hbm>>
    tpu.enqueue_dma source(%arg9 : memref<16x1536xf32, #tpu.memory_space<vmem>>) target(%dma_start3A_140 : memref<16x1536xf32, #tpu.memory_space<hbm>>) target_semaphore(%arg19 : memref<!tpu.dma_semaphore, #tpu.memory_space<semaphore_mem>>)
    %dma_wait3A_141 = arith.constant 0 : i32
    %dma_wait3A_142 = tpu.memref_slice %arg4[%select_n3A, %add3A_134, %dma_wait3A_141] : memref<4x2048x1536xf32, #tpu.memory_space<hbm>> -> memref<1x16x1536xf32, #tpu.memory_space<hbm>>
    %dma_wait3A_143 = tpu.memref_squeeze %dma_wait3A_142 : memref<1x16x1536xf32, #tpu.memory_space<hbm>> -> memref<16x1536xf32, #tpu.memory_space<hbm>>
    %dma_wait3A_144 = arith.constant 0 : i32
    %dma_wait3A_145 = tpu.memref_slice %arg4[%select_n3A, %add3A_134, %dma_wait3A_144] : memref<4x2048x1536xf32, #tpu.memory_space<hbm>> -> memref<1x16x1536xf32, #tpu.memory_space<hbm>>
    %dma_wait3A_146 = tpu.memref_squeeze %dma_wait3A_145 : memref<1x16x1536xf32, #tpu.memory_space<hbm>> -> memref<16x1536xf32, #tpu.memory_space<hbm>>
    tpu.wait_dma2 semaphore(%arg19 : memref<!tpu.dma_semaphore, #tpu.memory_space<semaphore_mem>>) src(%arg9 : memref<16x1536xf32, #tpu.memory_space<vmem>>) dst(%dma_wait3A_146 : memref<16x1536xf32, #tpu.memory_space<hbm>>)
    %dma_start3A_147 = arith.constant 128 : i32
    %dma_start3A_148 = tpu.memref_slice %arg5[%dma_start3A_147] : memref<256xi32, #tpu.memory_space<vmem>> -> memref<16xi32, #tpu.memory_space<vmem>>
    %dma_start3A_149 = arith.constant 0 : i32
    %dma_start3A_150 = arith.constant 0 : i32
    %dma_start3A_151 = tpu.memref_slice %arg3[%dma_start3A_149, %dma_start3A_150] : memref<262144x1536xf32, #tpu.memory_space<hbm>> -> memref<262144x1536xf32, #tpu.memory_space<hbm>>
    tpu.enqueue_indirect_dma source(%dma_start3A_151 : memref<262144x1536xf32, #tpu.memory_space<hbm>>) target(%arg9 : memref<16x1536xf32, #tpu.memory_space<vmem>>) offsets(%dma_start3A_148 : memref<16xi32, #tpu.memory_space<vmem>>) semaphore(%arg14 : memref<!tpu.dma_semaphore, #tpu.memory_space<semaphore_mem>>)
    %dma_wait3A_152 = arith.constant 64 : i32
    %dma_wait3A_153 = tpu.memref_slice %arg5[%dma_wait3A_152] : memref<256xi32, #tpu.memory_space<vmem>> -> memref<16xi32, #tpu.memory_space<vmem>>
    %dma_wait3A_154 = arith.constant 0 : i32
    %dma_wait3A_155 = arith.constant 0 : i32
    %dma_wait3A_156 = tpu.memref_slice %arg3[%dma_wait3A_154, %dma_wait3A_155] : memref<262144x1536xf32, #tpu.memory_space<hbm>> -> memref<262144x1536xf32, #tpu.memory_space<hbm>>
    tpu.wait_indirect_dma semaphore(%arg15 : memref<!tpu.dma_semaphore, #tpu.memory_space<semaphore_mem>>) src(%dma_wait3A_156 : memref<262144x1536xf32, #tpu.memory_space<hbm>>) dst(%arg10 : memref<16x1536xf32, #tpu.memory_space<vmem>>)
    %add3A_157 = arith.constant 64 : i32
    %add3A_158 = arith.addi %mul3A_32, %add3A_157 : i32
    %dma_start3A_159 = arith.constant 0 : i32
    %dma_start3A_160 = tpu.memref_slice %arg4[%select_n3A, %add3A_158, %dma_start3A_159] : memref<4x2048x1536xf32, #tpu.memory_space<hbm>> -> memref<1x16x1536xf32, #tpu.memory_space<hbm>>
    %dma_start3A_161 = tpu.memref_squeeze %dma_start3A_160 : memref<1x16x1536xf32, #tpu.memory_space<hbm>> -> memref<16x1536xf32, #tpu.memory_space<hbm>>
    %dma_start3A_162 = arith.constant 0 : i32
    %dma_start3A_163 = tpu.memref_slice %arg4[%select_n3A, %add3A_158, %dma_start3A_162] : memref<4x2048x1536xf32, #tpu.memory_space<hbm>> -> memref<1x16x1536xf32, #tpu.memory_space<hbm>>
    %dma_start3A_164 = tpu.memref_squeeze %dma_start3A_163 : memref<1x16x1536xf32, #tpu.memory_space<hbm>> -> memref<16x1536xf32, #tpu.memory_space<hbm>>
    tpu.enqueue_dma source(%arg10 : memref<16x1536xf32, #tpu.memory_space<vmem>>) target(%dma_start3A_164 : memref<16x1536xf32, #tpu.memory_space<hbm>>) target_semaphore(%arg20 : memref<!tpu.dma_semaphore, #tpu.memory_space<semaphore_mem>>)
    %dma_wait3A_165 = arith.constant 0 : i32
    %dma_wait3A_166 = tpu.memref_slice %arg4[%select_n3A, %add3A_158, %dma_wait3A_165] : memref<4x2048x1536xf32, #tpu.memory_space<hbm>> -> memref<1x16x1536xf32, #tpu.memory_space<hbm>>
    %dma_wait3A_167 = tpu.memref_squeeze %dma_wait3A_166 : memref<1x16x1536xf32, #tpu.memory_space<hbm>> -> memref<16x1536xf32, #tpu.memory_space<hbm>>
    %dma_wait3A_168 = arith.constant 0 : i32
    %dma_wait3A_169 = tpu.memref_slice %arg4[%select_n3A, %add3A_158, %dma_wait3A_168] : memref<4x2048x1536xf32, #tpu.memory_space<hbm>> -> memref<1x16x1536xf32, #tpu.memory_space<hbm>>
    %dma_wait3A_170 = tpu.memref_squeeze %dma_wait3A_169 : memref<1x16x1536xf32, #tpu.memory_space<hbm>> -> memref<16x1536xf32, #tpu.memory_space<hbm>>
    tpu.wait_dma2 semaphore(%arg20 : memref<!tpu.dma_semaphore, #tpu.memory_space<semaphore_mem>>) src(%arg10 : memref<16x1536xf32, #tpu.memory_space<vmem>>) dst(%dma_wait3A_170 : memref<16x1536xf32, #tpu.memory_space<hbm>>)
    %dma_start3A_171 = arith.constant 144 : i32
    %dma_start3A_172 = tpu.memref_slice %arg5[%dma_start3A_171] : memref<256xi32, #tpu.memory_space<vmem>> -> memref<16xi32, #tpu.memory_space<vmem>>
    %dma_start3A_173 = arith.constant 0 : i32
    %dma_start3A_174 = arith.constant 0 : i32
    %dma_start3A_175 = tpu.memref_slice %arg3[%dma_start3A_173, %dma_start3A_174] : memref<262144x1536xf32, #tpu.memory_space<hbm>> -> memref<262144x1536xf32, #tpu.memory_space<hbm>>
    tpu.enqueue_indirect_dma source(%dma_start3A_175 : memref<262144x1536xf32, #tpu.memory_space<hbm>>) target(%arg10 : memref<16x1536xf32, #tpu.memory_space<vmem>>) offsets(%dma_start3A_172 : memref<16xi32, #tpu.memory_space<vmem>>) semaphore(%arg15 : memref<!tpu.dma_semaphore, #tpu.memory_space<semaphore_mem>>)
    %dma_wait3A_176 = arith.constant 80 : i32
    %dma_wait3A_177 = tpu.memref_slice %arg5[%dma_wait3A_176] : memref<256xi32, #tpu.memory_space<vmem>> -> memref<16xi32, #tpu.memory_space<vmem>>
    %dma_wait3A_178 = arith.constant 0 : i32
    %dma_wait3A_179 = arith.constant 0 : i32
    %dma_wait3A_180 = tpu.memref_slice %arg3[%dma_wait3A_178, %dma_wait3A_179] : memref<262144x1536xf32, #tpu.memory_space<hbm>> -> memref<262144x1536xf32, #tpu.memory_space<hbm>>
    tpu.wait_indirect_dma semaphore(%arg11 : memref<!tpu.dma_semaphore, #tpu.memory_space<semaphore_mem>>) src(%dma_wait3A_180 : memref<262144x1536xf32, #tpu.memory_space<hbm>>) dst(%arg6 : memref<16x1536xf32, #tpu.memory_space<vmem>>)
    %add3A_181 = arith.constant 80 : i32
    %add3A_182 = arith.addi %mul3A_32, %add3A_181 : i32
    %dma_start3A_183 = arith.constant 0 : i32
    %dma_start3A_184 = tpu.memref_slice %arg4[%select_n3A, %add3A_182, %dma_start3A_183] : memref<4x2048x1536xf32, #tpu.memory_space<hbm>> -> memref<1x16x1536xf32, #tpu.memory_space<hbm>>
    %dma_start3A_185 = tpu.memref_squeeze %dma_start3A_184 : memref<1x16x1536xf32, #tpu.memory_space<hbm>> -> memref<16x1536xf32, #tpu.memory_space<hbm>>
    %dma_start3A_186 = arith.constant 0 : i32
    %dma_start3A_187 = tpu.memref_slice %arg4[%select_n3A, %add3A_182, %dma_start3A_186] : memref<4x2048x1536xf32, #tpu.memory_space<hbm>> -> memref<1x16x1536xf32, #tpu.memory_space<hbm>>
    %dma_start3A_188 = tpu.memref_squeeze %dma_start3A_187 : memref<1x16x1536xf32, #tpu.memory_space<hbm>> -> memref<16x1536xf32, #tpu.memory_space<hbm>>
    tpu.enqueue_dma source(%arg6 : memref<16x1536xf32, #tpu.memory_space<vmem>>) target(%dma_start3A_188 : memref<16x1536xf32, #tpu.memory_space<hbm>>) target_semaphore(%arg16 : memref<!tpu.dma_semaphore, #tpu.memory_space<semaphore_mem>>)
    %dma_wait3A_189 = arith.constant 0 : i32
    %dma_wait3A_190 = tpu.memref_slice %arg4[%select_n3A, %add3A_182, %dma_wait3A_189] : memref<4x2048x1536xf32, #tpu.memory_space<hbm>> -> memref<1x16x1536xf32, #tpu.memory_space<hbm>>
    %dma_wait3A_191 = tpu.memref_squeeze %dma_wait3A_190 : memref<1x16x1536xf32, #tpu.memory_space<hbm>> -> memref<16x1536xf32, #tpu.memory_space<hbm>>
    %dma_wait3A_192 = arith.constant 0 : i32
    %dma_wait3A_193 = tpu.memref_slice %arg4[%select_n3A, %add3A_182, %dma_wait3A_192] : memref<4x2048x1536xf32, #tpu.memory_space<hbm>> -> memref<1x16x1536xf32, #tpu.memory_space<hbm>>
    %dma_wait3A_194 = tpu.memref_squeeze %dma_wait3A_193 : memref<1x16x1536xf32, #tpu.memory_space<hbm>> -> memref<16x1536xf32, #tpu.memory_space<hbm>>
    tpu.wait_dma2 semaphore(%arg16 : memref<!tpu.dma_semaphore, #tpu.memory_space<semaphore_mem>>) src(%arg6 : memref<16x1536xf32, #tpu.memory_space<vmem>>) dst(%dma_wait3A_194 : memref<16x1536xf32, #tpu.memory_space<hbm>>)
    %dma_start3A_195 = arith.constant 160 : i32
    %dma_start3A_196 = tpu.memref_slice %arg5[%dma_start3A_195] : memref<256xi32, #tpu.memory_space<vmem>> -> memref<16xi32, #tpu.memory_space<vmem>>
    %dma_start3A_197 = arith.constant 0 : i32
    %dma_start3A_198 = arith.constant 0 : i32
    %dma_start3A_199 = tpu.memref_slice %arg3[%dma_start3A_197, %dma_start3A_198] : memref<262144x1536xf32, #tpu.memory_space<hbm>> -> memref<262144x1536xf32, #tpu.memory_space<hbm>>
    tpu.enqueue_indirect_dma source(%dma_start3A_199 : memref<262144x1536xf32, #tpu.memory_space<hbm>>) target(%arg6 : memref<16x1536xf32, #tpu.memory_space<vmem>>) offsets(%dma_start3A_196 : memref<16xi32, #tpu.memory_space<vmem>>) semaphore(%arg11 : memref<!tpu.dma_semaphore, #tpu.memory_space<semaphore_mem>>)
    %dma_wait3A_200 = arith.constant 96 : i32
    %dma_wait3A_201 = tpu.memref_slice %arg5[%dma_wait3A_200] : memref<256xi32, #tpu.memory_space<vmem>> -> memref<16xi32, #tpu.memory_space<vmem>>
    %dma_wait3A_202 = arith.constant 0 : i32
    %dma_wait3A_203 = arith.constant 0 : i32
    %dma_wait3A_204 = tpu.memref_slice %arg3[%dma_wait3A_202, %dma_wait3A_203] : memref<262144x1536xf32, #tpu.memory_space<hbm>> -> memref<262144x1536xf32, #tpu.memory_space<hbm>>
    tpu.wait_indirect_dma semaphore(%arg12 : memref<!tpu.dma_semaphore, #tpu.memory_space<semaphore_mem>>) src(%dma_wait3A_204 : memref<262144x1536xf32, #tpu.memory_space<hbm>>) dst(%arg7 : memref<16x1536xf32, #tpu.memory_space<vmem>>)
    %add3A_205 = arith.constant 96 : i32
    %add3A_206 = arith.addi %mul3A_32, %add3A_205 : i32
    %dma_start3A_207 = arith.constant 0 : i32
    %dma_start3A_208 = tpu.memref_slice %arg4[%select_n3A, %add3A_206, %dma_start3A_207] : memref<4x2048x1536xf32, #tpu.memory_space<hbm>> -> memref<1x16x1536xf32, #tpu.memory_space<hbm>>
    %dma_start3A_209 = tpu.memref_squeeze %dma_start3A_208 : memref<1x16x1536xf32, #tpu.memory_space<hbm>> -> memref<16x1536xf32, #tpu.memory_space<hbm>>
    %dma_start3A_210 = arith.constant 0 : i32
    %dma_start3A_211 = tpu.memref_slice %arg4[%select_n3A, %add3A_206, %dma_start3A_210] : memref<4x2048x1536xf32, #tpu.memory_space<hbm>> -> memref<1x16x1536xf32, #tpu.memory_space<hbm>>
    %dma_start3A_212 = tpu.memref_squeeze %dma_start3A_211 : memref<1x16x1536xf32, #tpu.memory_space<hbm>> -> memref<16x1536xf32, #tpu.memory_space<hbm>>
    tpu.enqueue_dma source(%arg7 : memref<16x1536xf32, #tpu.memory_space<vmem>>) target(%dma_start3A_212 : memref<16x1536xf32, #tpu.memory_space<hbm>>) target_semaphore(%arg17 : memref<!tpu.dma_semaphore, #tpu.memory_space<semaphore_mem>>)
    %dma_wait3A_213 = arith.constant 0 : i32
    %dma_wait3A_214 = tpu.memref_slice %arg4[%select_n3A, %add3A_206, %dma_wait3A_213] : memref<4x2048x1536xf32, #tpu.memory_space<hbm>> -> memref<1x16x1536xf32, #tpu.memory_space<hbm>>
    %dma_wait3A_215 = tpu.memref_squeeze %dma_wait3A_214 : memref<1x16x1536xf32, #tpu.memory_space<hbm>> -> memref<16x1536xf32, #tpu.memory_space<hbm>>
    %dma_wait3A_216 = arith.constant 0 : i32
    %dma_wait3A_217 = tpu.memref_slice %arg4[%select_n3A, %add3A_206, %dma_wait3A_216] : memref<4x2048x1536xf32, #tpu.memory_space<hbm>> -> memref<1x16x1536xf32, #tpu.memory_space<hbm>>
    %dma_wait3A_218 = tpu.memref_squeeze %dma_wait3A_217 : memref<1x16x1536xf32, #tpu.memory_space<hbm>> -> memref<16x1536xf32, #tpu.memory_space<hbm>>
    tpu.wait_dma2 semaphore(%arg17 : memref<!tpu.dma_semaphore, #tpu.memory_space<semaphore_mem>>) src(%arg7 : memref<16x1536xf32, #tpu.memory_space<vmem>>) dst(%dma_wait3A_218 : memref<16x1536xf32, #tpu.memory_space<hbm>>)
    %dma_start3A_219 = arith.constant 176 : i32
    %dma_start3A_220 = tpu.memref_slice %arg5[%dma_start3A_219] : memref<256xi32, #tpu.memory_space<vmem>> -> memref<16xi32, #tpu.memory_space<vmem>>
    %dma_start3A_221 = arith.constant 0 : i32
    %dma_start3A_222 = arith.constant 0 : i32
    %dma_start3A_223 = tpu.memref_slice %arg3[%dma_start3A_221, %dma_start3A_222] : memref<262144x1536xf32, #tpu.memory_space<hbm>> -> memref<262144x1536xf32, #tpu.memory_space<hbm>>
    tpu.enqueue_indirect_dma source(%dma_start3A_223 : memref<262144x1536xf32, #tpu.memory_space<hbm>>) target(%arg7 : memref<16x1536xf32, #tpu.memory_space<vmem>>) offsets(%dma_start3A_220 : memref<16xi32, #tpu.memory_space<vmem>>) semaphore(%arg12 : memref<!tpu.dma_semaphore, #tpu.memory_space<semaphore_mem>>)
    %dma_wait3A_224 = arith.constant 112 : i32
    %dma_wait3A_225 = tpu.memref_slice %arg5[%dma_wait3A_224] : memref<256xi32, #tpu.memory_space<vmem>> -> memref<16xi32, #tpu.memory_space<vmem>>
    %dma_wait3A_226 = arith.constant 0 : i32
    %dma_wait3A_227 = arith.constant 0 : i32
    %dma_wait3A_228 = tpu.memref_slice %arg3[%dma_wait3A_226, %dma_wait3A_227] : memref<262144x1536xf32, #tpu.memory_space<hbm>> -> memref<262144x1536xf32, #tpu.memory_space<hbm>>
    tpu.wait_indirect_dma semaphore(%arg13 : memref<!tpu.dma_semaphore, #tpu.memory_space<semaphore_mem>>) src(%dma_wait3A_228 : memref<262144x1536xf32, #tpu.memory_space<hbm>>) dst(%arg8 : memref<16x1536xf32, #tpu.memory_space<vmem>>)
    %add3A_229 = arith.constant 112 : i32
    %add3A_230 = arith.addi %mul3A_32, %add3A_229 : i32
    %dma_start3A_231 = arith.constant 0 : i32
    %dma_start3A_232 = tpu.memref_slice %arg4[%select_n3A, %add3A_230, %dma_start3A_231] : memref<4x2048x1536xf32, #tpu.memory_space<hbm>> -> memref<1x16x1536xf32, #tpu.memory_space<hbm>>
    %dma_start3A_233 = tpu.memref_squeeze %dma_start3A_232 : memref<1x16x1536xf32, #tpu.memory_space<hbm>> -> memref<16x1536xf32, #tpu.memory_space<hbm>>
    %dma_start3A_234 = arith.constant 0 : i32
    %dma_start3A_235 = tpu.memref_slice %arg4[%select_n3A, %add3A_230, %dma_start3A_234] : memref<4x2048x1536xf32, #tpu.memory_space<hbm>> -> memref<1x16x1536xf32, #tpu.memory_space<hbm>>
    %dma_start3A_236 = tpu.memref_squeeze %dma_start3A_235 : memref<1x16x1536xf32, #tpu.memory_space<hbm>> -> memref<16x1536xf32, #tpu.memory_space<hbm>>
    tpu.enqueue_dma source(%arg8 : memref<16x1536xf32, #tpu.memory_space<vmem>>) target(%dma_start3A_236 : memref<16x1536xf32, #tpu.memory_space<hbm>>) target_semaphore(%arg18 : memref<!tpu.dma_semaphore, #tpu.memory_space<semaphore_mem>>)
    %dma_wait3A_237 = arith.constant 0 : i32
    %dma_wait3A_238 = tpu.memref_slice %arg4[%select_n3A, %add3A_230, %dma_wait3A_237] : memref<4x2048x1536xf32, #tpu.memory_space<hbm>> -> memref<1x16x1536xf32, #tpu.memory_space<hbm>>
    %dma_wait3A_239 = tpu.memref_squeeze %dma_wait3A_238 : memref<1x16x1536xf32, #tpu.memory_space<hbm>> -> memref<16x1536xf32, #tpu.memory_space<hbm>>
    %dma_wait3A_240 = arith.constant 0 : i32
    %dma_wait3A_241 = tpu.memref_slice %arg4[%select_n3A, %add3A_230, %dma_wait3A_240] : memref<4x2048x1536xf32, #tpu.memory_space<hbm>> -> memref<1x16x1536xf32, #tpu.memory_space<hbm>>
    %dma_wait3A_242 = tpu.memref_squeeze %dma_wait3A_241 : memref<1x16x1536xf32, #tpu.memory_space<hbm>> -> memref<16x1536xf32, #tpu.memory_space<hbm>>
    tpu.wait_dma2 semaphore(%arg18 : memref<!tpu.dma_semaphore, #tpu.memory_space<semaphore_mem>>) src(%arg8 : memref<16x1536xf32, #tpu.memory_space<vmem>>) dst(%dma_wait3A_242 : memref<16x1536xf32, #tpu.memory_space<hbm>>)
    %dma_start3A_243 = arith.constant 192 : i32
    %dma_start3A_244 = tpu.memref_slice %arg5[%dma_start3A_243] : memref<256xi32, #tpu.memory_space<vmem>> -> memref<16xi32, #tpu.memory_space<vmem>>
    %dma_start3A_245 = arith.constant 0 : i32
    %dma_start3A_246 = arith.constant 0 : i32
    %dma_start3A_247 = tpu.memref_slice %arg3[%dma_start3A_245, %dma_start3A_246] : memref<262144x1536xf32, #tpu.memory_space<hbm>> -> memref<262144x1536xf32, #tpu.memory_space<hbm>>
    tpu.enqueue_indirect_dma source(%dma_start3A_247 : memref<262144x1536xf32, #tpu.memory_space<hbm>>) target(%arg8 : memref<16x1536xf32, #tpu.memory_space<vmem>>) offsets(%dma_start3A_244 : memref<16xi32, #tpu.memory_space<vmem>>) semaphore(%arg13 : memref<!tpu.dma_semaphore, #tpu.memory_space<semaphore_mem>>)
    %dma_wait3A_248 = arith.constant 128 : i32
    %dma_wait3A_249 = tpu.memref_slice %arg5[%dma_wait3A_248] : memref<256xi32, #tpu.memory_space<vmem>> -> memref<16xi32, #tpu.memory_space<vmem>>
    %dma_wait3A_250 = arith.constant 0 : i32
    %dma_wait3A_251 = arith.constant 0 : i32
    %dma_wait3A_252 = tpu.memref_slice %arg3[%dma_wait3A_250, %dma_wait3A_251] : memref<262144x1536xf32, #tpu.memory_space<hbm>> -> memref<262144x1536xf32, #tpu.memory_space<hbm>>
    tpu.wait_indirect_dma semaphore(%arg14 : memref<!tpu.dma_semaphore, #tpu.memory_space<semaphore_mem>>) src(%dma_wait3A_252 : memref<262144x1536xf32, #tpu.memory_space<hbm>>) dst(%arg9 : memref<16x1536xf32, #tpu.memory_space<vmem>>)
    %add3A_253 = arith.constant 128 : i32
    %add3A_254 = arith.addi %mul3A_32, %add3A_253 : i32
    %dma_start3A_255 = arith.constant 0 : i32
    %dma_start3A_256 = tpu.memref_slice %arg4[%select_n3A, %add3A_254, %dma_start3A_255] : memref<4x2048x1536xf32, #tpu.memory_space<hbm>> -> memref<1x16x1536xf32, #tpu.memory_space<hbm>>
    %dma_start3A_257 = tpu.memref_squeeze %dma_start3A_256 : memref<1x16x1536xf32, #tpu.memory_space<hbm>> -> memref<16x1536xf32, #tpu.memory_space<hbm>>
    %dma_start3A_258 = arith.constant 0 : i32
    %dma_start3A_259 = tpu.memref_slice %arg4[%select_n3A, %add3A_254, %dma_start3A_258] : memref<4x2048x1536xf32, #tpu.memory_space<hbm>> -> memref<1x16x1536xf32, #tpu.memory_space<hbm>>
    %dma_start3A_260 = tpu.memref_squeeze %dma_start3A_259 : memref<1x16x1536xf32, #tpu.memory_space<hbm>> -> memref<16x1536xf32, #tpu.memory_space<hbm>>
    tpu.enqueue_dma source(%arg9 : memref<16x1536xf32, #tpu.memory_space<vmem>>) target(%dma_start3A_260 : memref<16x1536xf32, #tpu.memory_space<hbm>>) target_semaphore(%arg19 : memref<!tpu.dma_semaphore, #tpu.memory_space<semaphore_mem>>)
    %dma_wait3A_261 = arith.constant 0 : i32
    %dma_wait3A_262 = tpu.memref_slice %arg4[%select_n3A, %add3A_254, %dma_wait3A_261] : memref<4x2048x1536xf32, #tpu.memory_space<hbm>> -> memref<1x16x1536xf32, #tpu.memory_space<hbm>>
    %dma_wait3A_263 = tpu.memref_squeeze %dma_wait3A_262 : memref<1x16x1536xf32, #tpu.memory_space<hbm>> -> memref<16x1536xf32, #tpu.memory_space<hbm>>
    %dma_wait3A_264 = arith.constant 0 : i32
    %dma_wait3A_265 = tpu.memref_slice %arg4[%select_n3A, %add3A_254, %dma_wait3A_264] : memref<4x2048x1536xf32, #tpu.memory_space<hbm>> -> memref<1x16x1536xf32, #tpu.memory_space<hbm>>
    %dma_wait3A_266 = tpu.memref_squeeze %dma_wait3A_265 : memref<1x16x1536xf32, #tpu.memory_space<hbm>> -> memref<16x1536xf32, #tpu.memory_space<hbm>>
    tpu.wait_dma2 semaphore(%arg19 : memref<!tpu.dma_semaphore, #tpu.memory_space<semaphore_mem>>) src(%arg9 : memref<16x1536xf32, #tpu.memory_space<vmem>>) dst(%dma_wait3A_266 : memref<16x1536xf32, #tpu.memory_space<hbm>>)
    %dma_start3A_267 = arith.constant 208 : i32
    %dma_start3A_268 = tpu.memref_slice %arg5[%dma_start3A_267] : memref<256xi32, #tpu.memory_space<vmem>> -> memref<16xi32, #tpu.memory_space<vmem>>
    %dma_start3A_269 = arith.constant 0 : i32
    %dma_start3A_270 = arith.constant 0 : i32
    %dma_start3A_271 = tpu.memref_slice %arg3[%dma_start3A_269, %dma_start3A_270] : memref<262144x1536xf32, #tpu.memory_space<hbm>> -> memref<262144x1536xf32, #tpu.memory_space<hbm>>
    tpu.enqueue_indirect_dma source(%dma_start3A_271 : memref<262144x1536xf32, #tpu.memory_space<hbm>>) target(%arg9 : memref<16x1536xf32, #tpu.memory_space<vmem>>) offsets(%dma_start3A_268 : memref<16xi32, #tpu.memory_space<vmem>>) semaphore(%arg14 : memref<!tpu.dma_semaphore, #tpu.memory_space<semaphore_mem>>)
    %dma_wait3A_272 = arith.constant 144 : i32
    %dma_wait3A_273 = tpu.memref_slice %arg5[%dma_wait3A_272] : memref<256xi32, #tpu.memory_space<vmem>> -> memref<16xi32, #tpu.memory_space<vmem>>
    %dma_wait3A_274 = arith.constant 0 : i32
    %dma_wait3A_275 = arith.constant 0 : i32
    %dma_wait3A_276 = tpu.memref_slice %arg3[%dma_wait3A_274, %dma_wait3A_275] : memref<262144x1536xf32, #tpu.memory_space<hbm>> -> memref<262144x1536xf32, #tpu.memory_space<hbm>>
    tpu.wait_indirect_dma semaphore(%arg15 : memref<!tpu.dma_semaphore, #tpu.memory_space<semaphore_mem>>) src(%dma_wait3A_276 : memref<262144x1536xf32, #tpu.memory_space<hbm>>) dst(%arg10 : memref<16x1536xf32, #tpu.memory_space<vmem>>)
    %add3A_277 = arith.constant 144 : i32
    %add3A_278 = arith.addi %mul3A_32, %add3A_277 : i32
    %dma_start3A_279 = arith.constant 0 : i32
    %dma_start3A_280 = tpu.memref_slice %arg4[%select_n3A, %add3A_278, %dma_start3A_279] : memref<4x2048x1536xf32, #tpu.memory_space<hbm>> -> memref<1x16x1536xf32, #tpu.memory_space<hbm>>
    %dma_start3A_281 = tpu.memref_squeeze %dma_start3A_280 : memref<1x16x1536xf32, #tpu.memory_space<hbm>> -> memref<16x1536xf32, #tpu.memory_space<hbm>>
    %dma_start3A_282 = arith.constant 0 : i32
    %dma_start3A_283 = tpu.memref_slice %arg4[%select_n3A, %add3A_278, %dma_start3A_282] : memref<4x2048x1536xf32, #tpu.memory_space<hbm>> -> memref<1x16x1536xf32, #tpu.memory_space<hbm>>
    %dma_start3A_284 = tpu.memref_squeeze %dma_start3A_283 : memref<1x16x1536xf32, #tpu.memory_space<hbm>> -> memref<16x1536xf32, #tpu.memory_space<hbm>>
    tpu.enqueue_dma source(%arg10 : memref<16x1536xf32, #tpu.memory_space<vmem>>) target(%dma_start3A_284 : memref<16x1536xf32, #tpu.memory_space<hbm>>) target_semaphore(%arg20 : memref<!tpu.dma_semaphore, #tpu.memory_space<semaphore_mem>>)
    %dma_wait3A_285 = arith.constant 0 : i32
    %dma_wait3A_286 = tpu.memref_slice %arg4[%select_n3A, %add3A_278, %dma_wait3A_285] : memref<4x2048x1536xf32, #tpu.memory_space<hbm>> -> memref<1x16x1536xf32, #tpu.memory_space<hbm>>
    %dma_wait3A_287 = tpu.memref_squeeze %dma_wait3A_286 : memref<1x16x1536xf32, #tpu.memory_space<hbm>> -> memref<16x1536xf32, #tpu.memory_space<hbm>>
    %dma_wait3A_288 = arith.constant 0 : i32
    %dma_wait3A_289 = tpu.memref_slice %arg4[%select_n3A, %add3A_278, %dma_wait3A_288] : memref<4x2048x1536xf32, #tpu.memory_space<hbm>> -> memref<1x16x1536xf32, #tpu.memory_space<hbm>>
    %dma_wait3A_290 = tpu.memref_squeeze %dma_wait3A_289 : memref<1x16x1536xf32, #tpu.memory_space<hbm>> -> memref<16x1536xf32, #tpu.memory_space<hbm>>
    tpu.wait_dma2 semaphore(%arg20 : memref<!tpu.dma_semaphore, #tpu.memory_space<semaphore_mem>>) src(%arg10 : memref<16x1536xf32, #tpu.memory_space<vmem>>) dst(%dma_wait3A_290 : memref<16x1536xf32, #tpu.memory_space<hbm>>)
    %dma_start3A_291 = arith.constant 224 : i32
    %dma_start3A_292 = tpu.memref_slice %arg5[%dma_start3A_291] : memref<256xi32, #tpu.memory_space<vmem>> -> memref<16xi32, #tpu.memory_space<vmem>>
    %dma_start3A_293 = arith.constant 0 : i32
    %dma_start3A_294 = arith.constant 0 : i32
    %dma_start3A_295 = tpu.memref_slice %arg3[%dma_start3A_293, %dma_start3A_294] : memref<262144x1536xf32, #tpu.memory_space<hbm>> -> memref<262144x1536xf32, #tpu.memory_space<hbm>>
    tpu.enqueue_indirect_dma source(%dma_start3A_295 : memref<262144x1536xf32, #tpu.memory_space<hbm>>) target(%arg10 : memref<16x1536xf32, #tpu.memory_space<vmem>>) offsets(%dma_start3A_292 : memref<16xi32, #tpu.memory_space<vmem>>) semaphore(%arg15 : memref<!tpu.dma_semaphore, #tpu.memory_space<semaphore_mem>>)
    %dma_wait3A_296 = arith.constant 160 : i32
    %dma_wait3A_297 = tpu.memref_slice %arg5[%dma_wait3A_296] : memref<256xi32, #tpu.memory_space<vmem>> -> memref<16xi32, #tpu.memory_space<vmem>>
    %dma_wait3A_298 = arith.constant 0 : i32
    %dma_wait3A_299 = arith.constant 0 : i32
    %dma_wait3A_300 = tpu.memref_slice %arg3[%dma_wait3A_298, %dma_wait3A_299] : memref<262144x1536xf32, #tpu.memory_space<hbm>> -> memref<262144x1536xf32, #tpu.memory_space<hbm>>
    tpu.wait_indirect_dma semaphore(%arg11 : memref<!tpu.dma_semaphore, #tpu.memory_space<semaphore_mem>>) src(%dma_wait3A_300 : memref<262144x1536xf32, #tpu.memory_space<hbm>>) dst(%arg6 : memref<16x1536xf32, #tpu.memory_space<vmem>>)
    %add3A_301 = arith.constant 160 : i32
    %add3A_302 = arith.addi %mul3A_32, %add3A_301 : i32
    %dma_start3A_303 = arith.constant 0 : i32
    %dma_start3A_304 = tpu.memref_slice %arg4[%select_n3A, %add3A_302, %dma_start3A_303] : memref<4x2048x1536xf32, #tpu.memory_space<hbm>> -> memref<1x16x1536xf32, #tpu.memory_space<hbm>>
    %dma_start3A_305 = tpu.memref_squeeze %dma_start3A_304 : memref<1x16x1536xf32, #tpu.memory_space<hbm>> -> memref<16x1536xf32, #tpu.memory_space<hbm>>
    %dma_start3A_306 = arith.constant 0 : i32
    %dma_start3A_307 = tpu.memref_slice %arg4[%select_n3A, %add3A_302, %dma_start3A_306] : memref<4x2048x1536xf32, #tpu.memory_space<hbm>> -> memref<1x16x1536xf32, #tpu.memory_space<hbm>>
    %dma_start3A_308 = tpu.memref_squeeze %dma_start3A_307 : memref<1x16x1536xf32, #tpu.memory_space<hbm>> -> memref<16x1536xf32, #tpu.memory_space<hbm>>
    tpu.enqueue_dma source(%arg6 : memref<16x1536xf32, #tpu.memory_space<vmem>>) target(%dma_start3A_308 : memref<16x1536xf32, #tpu.memory_space<hbm>>) target_semaphore(%arg16 : memref<!tpu.dma_semaphore, #tpu.memory_space<semaphore_mem>>)
    %dma_wait3A_309 = arith.constant 0 : i32
    %dma_wait3A_310 = tpu.memref_slice %arg4[%select_n3A, %add3A_302, %dma_wait3A_309] : memref<4x2048x1536xf32, #tpu.memory_space<hbm>> -> memref<1x16x1536xf32, #tpu.memory_space<hbm>>
    %dma_wait3A_311 = tpu.memref_squeeze %dma_wait3A_310 : memref<1x16x1536xf32, #tpu.memory_space<hbm>> -> memref<16x1536xf32, #tpu.memory_space<hbm>>
    %dma_wait3A_312 = arith.constant 0 : i32
    %dma_wait3A_313 = tpu.memref_slice %arg4[%select_n3A, %add3A_302, %dma_wait3A_312] : memref<4x2048x1536xf32, #tpu.memory_space<hbm>> -> memref<1x16x1536xf32, #tpu.memory_space<hbm>>
    %dma_wait3A_314 = tpu.memref_squeeze %dma_wait3A_313 : memref<1x16x1536xf32, #tpu.memory_space<hbm>> -> memref<16x1536xf32, #tpu.memory_space<hbm>>
    tpu.wait_dma2 semaphore(%arg16 : memref<!tpu.dma_semaphore, #tpu.memory_space<semaphore_mem>>) src(%arg6 : memref<16x1536xf32, #tpu.memory_space<vmem>>) dst(%dma_wait3A_314 : memref<16x1536xf32, #tpu.memory_space<hbm>>)
    %dma_start3A_315 = arith.constant 240 : i32
    %dma_start3A_316 = tpu.memref_slice %arg5[%dma_start3A_315] : memref<256xi32, #tpu.memory_space<vmem>> -> memref<16xi32, #tpu.memory_space<vmem>>
    %dma_start3A_317 = arith.constant 0 : i32
    %dma_start3A_318 = arith.constant 0 : i32
    %dma_start3A_319 = tpu.memref_slice %arg3[%dma_start3A_317, %dma_start3A_318] : memref<262144x1536xf32, #tpu.memory_space<hbm>> -> memref<262144x1536xf32, #tpu.memory_space<hbm>>
    tpu.enqueue_indirect_dma source(%dma_start3A_319 : memref<262144x1536xf32, #tpu.memory_space<hbm>>) target(%arg6 : memref<16x1536xf32, #tpu.memory_space<vmem>>) offsets(%dma_start3A_316 : memref<16xi32, #tpu.memory_space<vmem>>) semaphore(%arg11 : memref<!tpu.dma_semaphore, #tpu.memory_space<semaphore_mem>>)
    %dma_wait3A_320 = arith.constant 176 : i32
    %dma_wait3A_321 = tpu.memref_slice %arg5[%dma_wait3A_320] : memref<256xi32, #tpu.memory_space<vmem>> -> memref<16xi32, #tpu.memory_space<vmem>>
    %dma_wait3A_322 = arith.constant 0 : i32
    %dma_wait3A_323 = arith.constant 0 : i32
    %dma_wait3A_324 = tpu.memref_slice %arg3[%dma_wait3A_322, %dma_wait3A_323] : memref<262144x1536xf32, #tpu.memory_space<hbm>> -> memref<262144x1536xf32, #tpu.memory_space<hbm>>
    tpu.wait_indirect_dma semaphore(%arg12 : memref<!tpu.dma_semaphore, #tpu.memory_space<semaphore_mem>>) src(%dma_wait3A_324 : memref<262144x1536xf32, #tpu.memory_space<hbm>>) dst(%arg7 : memref<16x1536xf32, #tpu.memory_space<vmem>>)
    %add3A_325 = arith.constant 176 : i32
    %add3A_326 = arith.addi %mul3A_32, %add3A_325 : i32
    %dma_start3A_327 = arith.constant 0 : i32
    %dma_start3A_328 = tpu.memref_slice %arg4[%select_n3A, %add3A_326, %dma_start3A_327] : memref<4x2048x1536xf32, #tpu.memory_space<hbm>> -> memref<1x16x1536xf32, #tpu.memory_space<hbm>>
    %dma_start3A_329 = tpu.memref_squeeze %dma_start3A_328 : memref<1x16x1536xf32, #tpu.memory_space<hbm>> -> memref<16x1536xf32, #tpu.memory_space<hbm>>
    %dma_start3A_330 = arith.constant 0 : i32
    %dma_start3A_331 = tpu.memref_slice %arg4[%select_n3A, %add3A_326, %dma_start3A_330] : memref<4x2048x1536xf32, #tpu.memory_space<hbm>> -> memref<1x16x1536xf32, #tpu.memory_space<hbm>>
    %dma_start3A_332 = tpu.memref_squeeze %dma_start3A_331 : memref<1x16x1536xf32, #tpu.memory_space<hbm>> -> memref<16x1536xf32, #tpu.memory_space<hbm>>
    tpu.enqueue_dma source(%arg7 : memref<16x1536xf32, #tpu.memory_space<vmem>>) target(%dma_start3A_332 : memref<16x1536xf32, #tpu.memory_space<hbm>>) target_semaphore(%arg17 : memref<!tpu.dma_semaphore, #tpu.memory_space<semaphore_mem>>)
    %dma_wait3A_333 = arith.constant 192 : i32
    %dma_wait3A_334 = tpu.memref_slice %arg5[%dma_wait3A_333] : memref<256xi32, #tpu.memory_space<vmem>> -> memref<16xi32, #tpu.memory_space<vmem>>
    %dma_wait3A_335 = arith.constant 0 : i32
    %dma_wait3A_336 = arith.constant 0 : i32
    %dma_wait3A_337 = tpu.memref_slice %arg3[%dma_wait3A_335, %dma_wait3A_336] : memref<262144x1536xf32, #tpu.memory_space<hbm>> -> memref<262144x1536xf32, #tpu.memory_space<hbm>>
    tpu.wait_indirect_dma semaphore(%arg13 : memref<!tpu.dma_semaphore, #tpu.memory_space<semaphore_mem>>) src(%dma_wait3A_337 : memref<262144x1536xf32, #tpu.memory_space<hbm>>) dst(%arg8 : memref<16x1536xf32, #tpu.memory_space<vmem>>)
    %add3A_338 = arith.constant 192 : i32
    %add3A_339 = arith.addi %mul3A_32, %add3A_338 : i32
    %dma_start3A_340 = arith.constant 0 : i32
    %dma_start3A_341 = tpu.memref_slice %arg4[%select_n3A, %add3A_339, %dma_start3A_340] : memref<4x2048x1536xf32, #tpu.memory_space<hbm>> -> memref<1x16x1536xf32, #tpu.memory_space<hbm>>
    %dma_start3A_342 = tpu.memref_squeeze %dma_start3A_341 : memref<1x16x1536xf32, #tpu.memory_space<hbm>> -> memref<16x1536xf32, #tpu.memory_space<hbm>>
    %dma_start3A_343 = arith.constant 0 : i32
    %dma_start3A_344 = tpu.memref_slice %arg4[%select_n3A, %add3A_339, %dma_start3A_343] : memref<4x2048x1536xf32, #tpu.memory_space<hbm>> -> memref<1x16x1536xf32, #tpu.memory_space<hbm>>
    %dma_start3A_345 = tpu.memref_squeeze %dma_start3A_344 : memref<1x16x1536xf32, #tpu.memory_space<hbm>> -> memref<16x1536xf32, #tpu.memory_space<hbm>>
    tpu.enqueue_dma source(%arg8 : memref<16x1536xf32, #tpu.memory_space<vmem>>) target(%dma_start3A_345 : memref<16x1536xf32, #tpu.memory_space<hbm>>) target_semaphore(%arg18 : memref<!tpu.dma_semaphore, #tpu.memory_space<semaphore_mem>>)
    %dma_wait3A_346 = arith.constant 208 : i32
    %dma_wait3A_347 = tpu.memref_slice %arg5[%dma_wait3A_346] : memref<256xi32, #tpu.memory_space<vmem>> -> memref<16xi32, #tpu.memory_space<vmem>>
    %dma_wait3A_348 = arith.constant 0 : i32
    %dma_wait3A_349 = arith.constant 0 : i32
    %dma_wait3A_350 = tpu.memref_slice %arg3[%dma_wait3A_348, %dma_wait3A_349] : memref<262144x1536xf32, #tpu.memory_space<hbm>> -> memref<262144x1536xf32, #tpu.memory_space<hbm>>
    tpu.wait_indirect_dma semaphore(%arg14 : memref<!tpu.dma_semaphore, #tpu.memory_space<semaphore_mem>>) src(%dma_wait3A_350 : memref<262144x1536xf32, #tpu.memory_space<hbm>>) dst(%arg9 : memref<16x1536xf32, #tpu.memory_space<vmem>>)
    %add3A_351 = arith.constant 208 : i32
    %add3A_352 = arith.addi %mul3A_32, %add3A_351 : i32
    %dma_start3A_353 = arith.constant 0 : i32
    %dma_start3A_354 = tpu.memref_slice %arg4[%select_n3A, %add3A_352, %dma_start3A_353] : memref<4x2048x1536xf32, #tpu.memory_space<hbm>> -> memref<1x16x1536xf32, #tpu.memory_space<hbm>>
    %dma_start3A_355 = tpu.memref_squeeze %dma_start3A_354 : memref<1x16x1536xf32, #tpu.memory_space<hbm>> -> memref<16x1536xf32, #tpu.memory_space<hbm>>
    %dma_start3A_356 = arith.constant 0 : i32
    %dma_start3A_357 = tpu.memref_slice %arg4[%select_n3A, %add3A_352, %dma_start3A_356] : memref<4x2048x1536xf32, #tpu.memory_space<hbm>> -> memref<1x16x1536xf32, #tpu.memory_space<hbm>>
    %dma_start3A_358 = tpu.memref_squeeze %dma_start3A_357 : memref<1x16x1536xf32, #tpu.memory_space<hbm>> -> memref<16x1536xf32, #tpu.memory_space<hbm>>
    tpu.enqueue_dma source(%arg9 : memref<16x1536xf32, #tpu.memory_space<vmem>>) target(%dma_start3A_358 : memref<16x1536xf32, #tpu.memory_space<hbm>>) target_semaphore(%arg19 : memref<!tpu.dma_semaphore, #tpu.memory_space<semaphore_mem>>)
    %dma_wait3A_359 = arith.constant 224 : i32
    %dma_wait3A_360 = tpu.memref_slice %arg5[%dma_wait3A_359] : memref<256xi32, #tpu.memory_space<vmem>> -> memref<16xi32, #tpu.memory_space<vmem>>
    %dma_wait3A_361 = arith.constant 0 : i32
    %dma_wait3A_362 = arith.constant 0 : i32
    %dma_wait3A_363 = tpu.memref_slice %arg3[%dma_wait3A_361, %dma_wait3A_362] : memref<262144x1536xf32, #tpu.memory_space<hbm>> -> memref<262144x1536xf32, #tpu.memory_space<hbm>>
    tpu.wait_indirect_dma semaphore(%arg15 : memref<!tpu.dma_semaphore, #tpu.memory_space<semaphore_mem>>) src(%dma_wait3A_363 : memref<262144x1536xf32, #tpu.memory_space<hbm>>) dst(%arg10 : memref<16x1536xf32, #tpu.memory_space<vmem>>)
    %add3A_364 = arith.constant 224 : i32
    %add3A_365 = arith.addi %mul3A_32, %add3A_364 : i32
    %dma_start3A_366 = arith.constant 0 : i32
    %dma_start3A_367 = tpu.memref_slice %arg4[%select_n3A, %add3A_365, %dma_start3A_366] : memref<4x2048x1536xf32, #tpu.memory_space<hbm>> -> memref<1x16x1536xf32, #tpu.memory_space<hbm>>
    %dma_start3A_368 = tpu.memref_squeeze %dma_start3A_367 : memref<1x16x1536xf32, #tpu.memory_space<hbm>> -> memref<16x1536xf32, #tpu.memory_space<hbm>>
    %dma_start3A_369 = arith.constant 0 : i32
    %dma_start3A_370 = tpu.memref_slice %arg4[%select_n3A, %add3A_365, %dma_start3A_369] : memref<4x2048x1536xf32, #tpu.memory_space<hbm>> -> memref<1x16x1536xf32, #tpu.memory_space<hbm>>
    %dma_start3A_371 = tpu.memref_squeeze %dma_start3A_370 : memref<1x16x1536xf32, #tpu.memory_space<hbm>> -> memref<16x1536xf32, #tpu.memory_space<hbm>>
    tpu.enqueue_dma source(%arg10 : memref<16x1536xf32, #tpu.memory_space<vmem>>) target(%dma_start3A_371 : memref<16x1536xf32, #tpu.memory_space<hbm>>) target_semaphore(%arg20 : memref<!tpu.dma_semaphore, #tpu.memory_space<semaphore_mem>>)
    %dma_wait3A_372 = arith.constant 240 : i32
    %dma_wait3A_373 = tpu.memref_slice %arg5[%dma_wait3A_372] : memref<256xi32, #tpu.memory_space<vmem>> -> memref<16xi32, #tpu.memory_space<vmem>>
    %dma_wait3A_374 = arith.constant 0 : i32
    %dma_wait3A_375 = arith.constant 0 : i32
    %dma_wait3A_376 = tpu.memref_slice %arg3[%dma_wait3A_374, %dma_wait3A_375] : memref<262144x1536xf32, #tpu.memory_space<hbm>> -> memref<262144x1536xf32, #tpu.memory_space<hbm>>
    tpu.wait_indirect_dma semaphore(%arg11 : memref<!tpu.dma_semaphore, #tpu.memory_space<semaphore_mem>>) src(%dma_wait3A_376 : memref<262144x1536xf32, #tpu.memory_space<hbm>>) dst(%arg6 : memref<16x1536xf32, #tpu.memory_space<vmem>>)
    %add3A_377 = arith.constant 240 : i32
    %add3A_378 = arith.addi %mul3A_32, %add3A_377 : i32
    %dma_start3A_379 = arith.constant 0 : i32
    %dma_start3A_380 = tpu.memref_slice %arg4[%select_n3A, %add3A_378, %dma_start3A_379] : memref<4x2048x1536xf32, #tpu.memory_space<hbm>> -> memref<1x16x1536xf32, #tpu.memory_space<hbm>>
    %dma_start3A_381 = tpu.memref_squeeze %dma_start3A_380 : memref<1x16x1536xf32, #tpu.memory_space<hbm>> -> memref<16x1536xf32, #tpu.memory_space<hbm>>
    %dma_start3A_382 = arith.constant 0 : i32
    %dma_start3A_383 = tpu.memref_slice %arg4[%select_n3A, %add3A_378, %dma_start3A_382] : memref<4x2048x1536xf32, #tpu.memory_space<hbm>> -> memref<1x16x1536xf32, #tpu.memory_space<hbm>>
    %dma_start3A_384 = tpu.memref_squeeze %dma_start3A_383 : memref<1x16x1536xf32, #tpu.memory_space<hbm>> -> memref<16x1536xf32, #tpu.memory_space<hbm>>
    tpu.enqueue_dma source(%arg6 : memref<16x1536xf32, #tpu.memory_space<vmem>>) target(%dma_start3A_384 : memref<16x1536xf32, #tpu.memory_space<hbm>>) target_semaphore(%arg16 : memref<!tpu.dma_semaphore, #tpu.memory_space<semaphore_mem>>)
    %dma_wait3A_385 = arith.constant 0 : i32
    %dma_wait3A_386 = tpu.memref_slice %arg4[%select_n3A, %add3A_378, %dma_wait3A_385] : memref<4x2048x1536xf32, #tpu.memory_space<hbm>> -> memref<1x16x1536xf32, #tpu.memory_space<hbm>>
    %dma_wait3A_387 = tpu.memref_squeeze %dma_wait3A_386 : memref<1x16x1536xf32, #tpu.memory_space<hbm>> -> memref<16x1536xf32, #tpu.memory_space<hbm>>
    %dma_wait3A_388 = arith.constant 0 : i32
    %dma_wait3A_389 = tpu.memref_slice %arg4[%select_n3A, %add3A_378, %dma_wait3A_388] : memref<4x2048x1536xf32, #tpu.memory_space<hbm>> -> memref<1x16x1536xf32, #tpu.memory_space<hbm>>
    %dma_wait3A_390 = tpu.memref_squeeze %dma_wait3A_389 : memref<1x16x1536xf32, #tpu.memory_space<hbm>> -> memref<16x1536xf32, #tpu.memory_space<hbm>>
    tpu.wait_dma2 semaphore(%arg16 : memref<!tpu.dma_semaphore, #tpu.memory_space<semaphore_mem>>) src(%arg6 : memref<16x1536xf32, #tpu.memory_space<vmem>>) dst(%dma_wait3A_390 : memref<16x1536xf32, #tpu.memory_space<hbm>>)
    %dma_wait3A_391 = arith.constant 0 : i32
    %dma_wait3A_392 = tpu.memref_slice %arg4[%select_n3A, %add3A_326, %dma_wait3A_391] : memref<4x2048x1536xf32, #tpu.memory_space<hbm>> -> memref<1x16x1536xf32, #tpu.memory_space<hbm>>
    %dma_wait3A_393 = tpu.memref_squeeze %dma_wait3A_392 : memref<1x16x1536xf32, #tpu.memory_space<hbm>> -> memref<16x1536xf32, #tpu.memory_space<hbm>>
    %dma_wait3A_394 = arith.constant 0 : i32
    %dma_wait3A_395 = tpu.memref_slice %arg4[%select_n3A, %add3A_326, %dma_wait3A_394] : memref<4x2048x1536xf32, #tpu.memory_space<hbm>> -> memref<1x16x1536xf32, #tpu.memory_space<hbm>>
    %dma_wait3A_396 = tpu.memref_squeeze %dma_wait3A_395 : memref<1x16x1536xf32, #tpu.memory_space<hbm>> -> memref<16x1536xf32, #tpu.memory_space<hbm>>
    tpu.wait_dma2 semaphore(%arg17 : memref<!tpu.dma_semaphore, #tpu.memory_space<semaphore_mem>>) src(%arg7 : memref<16x1536xf32, #tpu.memory_space<vmem>>) dst(%dma_wait3A_396 : memref<16x1536xf32, #tpu.memory_space<hbm>>)
    %dma_wait3A_397 = arith.constant 0 : i32
    %dma_wait3A_398 = tpu.memref_slice %arg4[%select_n3A, %add3A_339, %dma_wait3A_397] : memref<4x2048x1536xf32, #tpu.memory_space<hbm>> -> memref<1x16x1536xf32, #tpu.memory_space<hbm>>
    %dma_wait3A_399 = tpu.memref_squeeze %dma_wait3A_398 : memref<1x16x1536xf32, #tpu.memory_space<hbm>> -> memref<16x1536xf32, #tpu.memory_space<hbm>>
    %dma_wait3A_400 = arith.constant 0 : i32
    %dma_wait3A_401 = tpu.memref_slice %arg4[%select_n3A, %add3A_339, %dma_wait3A_400] : memref<4x2048x1536xf32, #tpu.memory_space<hbm>> -> memref<1x16x1536xf32, #tpu.memory_space<hbm>>
    %dma_wait3A_402 = tpu.memref_squeeze %dma_wait3A_401 : memref<1x16x1536xf32, #tpu.memory_space<hbm>> -> memref<16x1536xf32, #tpu.memory_space<hbm>>
    tpu.wait_dma2 semaphore(%arg18 : memref<!tpu.dma_semaphore, #tpu.memory_space<semaphore_mem>>) src(%arg8 : memref<16x1536xf32, #tpu.memory_space<vmem>>) dst(%dma_wait3A_402 : memref<16x1536xf32, #tpu.memory_space<hbm>>)
    %dma_wait3A_403 = arith.constant 0 : i32
    %dma_wait3A_404 = tpu.memref_slice %arg4[%select_n3A, %add3A_352, %dma_wait3A_403] : memref<4x2048x1536xf32, #tpu.memory_space<hbm>> -> memref<1x16x1536xf32, #tpu.memory_space<hbm>>
    %dma_wait3A_405 = tpu.memref_squeeze %dma_wait3A_404 : memref<1x16x1536xf32, #tpu.memory_space<hbm>> -> memref<16x1536xf32, #tpu.memory_space<hbm>>
    %dma_wait3A_406 = arith.constant 0 : i32
    %dma_wait3A_407 = tpu.memref_slice %arg4[%select_n3A, %add3A_352, %dma_wait3A_406] : memref<4x2048x1536xf32, #tpu.memory_space<hbm>> -> memref<1x16x1536xf32, #tpu.memory_space<hbm>>
    %dma_wait3A_408 = tpu.memref_squeeze %dma_wait3A_407 : memref<1x16x1536xf32, #tpu.memory_space<hbm>> -> memref<16x1536xf32, #tpu.memory_space<hbm>>
    tpu.wait_dma2 semaphore(%arg19 : memref<!tpu.dma_semaphore, #tpu.memory_space<semaphore_mem>>) src(%arg9 : memref<16x1536xf32, #tpu.memory_space<vmem>>) dst(%dma_wait3A_408 : memref<16x1536xf32, #tpu.memory_space<hbm>>)
    %dma_wait3A_409 = arith.constant 0 : i32
    %dma_wait3A_410 = tpu.memref_slice %arg4[%select_n3A, %add3A_365, %dma_wait3A_409] : memref<4x2048x1536xf32, #tpu.memory_space<hbm>> -> memref<1x16x1536xf32, #tpu.memory_space<hbm>>
    %dma_wait3A_411 = tpu.memref_squeeze %dma_wait3A_410 : memref<1x16x1536xf32, #tpu.memory_space<hbm>> -> memref<16x1536xf32, #tpu.memory_space<hbm>>
    %dma_wait3A_412 = arith.constant 0 : i32
    %dma_wait3A_413 = tpu.memref_slice %arg4[%select_n3A, %add3A_365, %dma_wait3A_412] : memref<4x2048x1536xf32, #tpu.memory_space<hbm>> -> memref<1x16x1536xf32, #tpu.memory_space<hbm>>
    %dma_wait3A_414 = tpu.memref_squeeze %dma_wait3A_413 : memref<1x16x1536xf32, #tpu.memory_space<hbm>> -> memref<16x1536xf32, #tpu.memory_space<hbm>>
    tpu.wait_dma2 semaphore(%arg20 : memref<!tpu.dma_semaphore, #tpu.memory_space<semaphore_mem>>) src(%arg10 : memref<16x1536xf32, #tpu.memory_space<vmem>>) dst(%dma_wait3A_414 : memref<16x1536xf32, #tpu.memory_space<hbm>>)
    return
  }
}

</mosaic_0001>

<sc_bundles>
// kernel: kernel.3.cloned.1.call-start
scs
__scs_entry_jumppad:
0x0: {  	(pc) =	sbr.rel $0x88, $3  }
0x1: {  	(tag) =	ssettag $0x0;
	lr =	simm.s32 $0x1  }
0x2: {  	[smem:$0x3F9F] =	sst lr;
	_ =	strace $0xD0000000  }
0x3: {  	_ = 	snop  }
0x4: {  	_ = 	snop  }
0x5: {  	_ = 	snop  }
0x6: {  	_ = 	snop  }
0x7: {  	_ = 	snop  }
__scs_overlays_trampoline_lowered:
0x8: {  	[smem:$0x3FAE] =	sst s0  }
0x9: {  	[smem:$0x3FAF] =	sst s1  }
0xa: {  	[smem:$0x3FB0] =	sst s2  }
0xb: {  	[smem:$0x3FB1] =	sst s3  }
0xc: {  	[smem:$0x3FB2] =	sst s4  }
0xd: {  	[smem:$0x3FB3] =	sst s5  }
0xe: {  	[smem:$0x3FB4] =	sst s6  }
0xf: {  	[smem:$0x3FB5] =	sst s7  }
0x10: {  	[smem:$0x3FB6] =	sst s8  }
0x11: {  	[smem:$0x3FB7] =	sst s9;
	s0 =	simm.s32 @!p0 $0x0  }
0x12: {  	s1 =	sld [smem:$0x3F9D];
	s0 =	simm.s32 @p0 $0x1  }
0x13: {  	[smem:$0x3FB8] =	sst s0;
	s0 =	simm.s32 @!p1 $0x0  }
0x14: {  	s2 =	sld [smem:$0x3F9C];
	s0 =	simm.s32 @p1 $0x1  }
0x15: {  	[smem:$0x3FB9] =	sst s0;
	s0 =	simm.s32 @!p2 $0x0  }
0x16: {  	s3 =	sld [smem:$0x3FDB];
	s0 =	simm.s32 @p2 $0x1  }
0x17: {  	s4 =	simm.s32 $0x1BF5;
	[smem:$0x3FBB] =	sst s0  }
0x18: {  	s0 =	sld [smem:$0x3F9E];
	_ =	swait.ge [sflag:s4], $0x0  }
0x19: {  	s7 =	sld [smem:$0x3F9F]  }
0x1a: {  	s8 =	sadd.s32 $0xFFFFE003, lr  }
0x1b: {  	s9 =	sadd.s32 $0xFFFFFEF7, lr;
	s5 =	simm.s32 $0xFFFFFFFF;
	p2 =	slt.u32 s8, $0xFFFFF086  }
0x1c: {  	p1 =	slt.u32 s9, $0xF7A;
	s5 =	simm.s32 @!p2 $0x0  }
0x1d: {  	s5 =	simm.s32 @p1 $0x1;
	p0 =	seq.s32 s7, s2  }
0x1e: {  	s7 =	smul.u32 @!p0 $0xF7A, s2;
	p2 =	seq.s32 @!p0 s5, $0x0  }
0x1f: {  	s9 =	smul.u32 $0xF7A, s1;
	s8 =	simm.s32 @!p0 $0x1BF5;
	p2 =	por !p2, p0  }
0x20: {  	[sflag:s8] =	ssyncset.s32 @!p0 $0xFFFFF086;
	s6 =	sadd.s32 @!p0 s3, s7;
	s7 =	simm.s32 @!p0 $0x108  }
0x21: {  	s3 =	sadd.s32 s3, s9;
	s6 =	sadd.s32 @!p0 $0x88, s6;
	s7 =	simm.s32 @p2 $0x1082  }
0x22: {  	[simem:s7], [sflag:s8] =	dma.local @!p0 [hbm:s6], $0xF7A  }
0x23: {  	s9 =	sor.u32 $0xD0000000, s2;
	s6 =	simm.s32 $0x108;
	_ =	swait.ge @!p0 [sflag:s8], $0x0  }
0x24: {  	s3 =	sadd.s32 $0x88, s3;
	s6 =	simm.s32 @!p1 $0x1082;
	[sflag:s4] =	ssyncset.s32 $0xFFFFF086  }
0x25: {  	[simem:s6], [sflag:s4] =	dma.local [hbm:s3], $0xF7A  }
0x26: {  	[smem:$0x3F9F] =	sst s1;
	(tag) =	ssettag s2;
	_ =	strace s9  }
0x27: {  	s1 =	sld [smem:$0x3FAF]  }
0x28: {  	s2 =	sld [smem:$0x3FB0]  }
0x29: {  	s4 =	sld [smem:$0x3FB2]  }
0x2a: {  	p0 =	seq.s32 s5, $0x0;
	s5 =	sld [smem:$0x3FB3]  }
0x2b: {  	s6 =	sld [smem:$0x3FB4]  }
0x2c: {  	s7 =	sld [smem:$0x3FB5]  }
0x2d: {  	s3 =	simm.s32 $0x108;
	s8 =	sld [smem:$0x3FB6]  }
0x2e: {  	s3 =	simm.s32 @!p0 $0x1082;
	s9 =	sld [smem:$0x3FB7]  }
0x2f: {  	lr =	sadd.s32 s0, s3;
	s0 =	sld [smem:$0x3FAE]  }
0x30: {  	s3 =	sld [smem:$0x3FB1]  }
0x31: {  	[smem:$0x3FBA] =	sst s10  }
0x32: {  	s10 =	sld [smem:$0x3FB8];
	_ =	sdelay $0x3  }
0x33: {  	p0 =	seq.s32 s10, $0x1;
	s10 =	sld [smem:$0x3FBA];
	_ =	sdelay $0x3  }
0x34: {  	[smem:$0x3FBA] =	sst s10  }
0x35: {  	s10 =	sld [smem:$0x3FB9];
	_ =	sdelay $0x3  }
0x36: {  	p1 =	seq.s32 s10, $0x1;
	s10 =	sld [smem:$0x3FBA];
	_ =	sdelay $0x3  }
0x37: {  	[smem:$0x3FBA] =	sst s10  }
0x38: {  	s10 =	sld [smem:$0x3FBB]  }
0x39: {  	_ = 	snop;
	(pc) =	sbr.ind lr, $3  }
0x3a: {  	_ = 	snop  }
0x3b: {  	_ = 	snop  }
0x3c: {  	p2 =	seq.s32 s10, $0x1;
	s10 =	sld [smem:$0x3FBA]  }
0x3d: {  	_ =	shalt  }
0x3e: {  	_ =	shalt  }
0x3f: {  	_ =	shalt  }
0x40: {  	_ =	shalt  }
0x41: {  	_ =	shalt  }
0x42: {  	_ =	shalt  }
0x43: {  	_ =	shalt  }
0x44: {  	_ =	shalt  }
0x45: {  	_ =	shalt  }
0x46: {  	_ =	shalt  }
0x47: {  	_ =	shalt  }
0x48: {  	_ =	shalt  }
0x49: {  	_ =	shalt  }
0x4a: {  	_ =	shalt  }
0x4b: {  	_ =	shalt  }
0x4c: {  	_ =	shalt  }
0x4d: {  	_ =	shalt  }
0x4e: {  	_ =	shalt  }
0x4f: {  	_ =	shalt  }
0x50: {  	_ =	shalt  }
0x51: {  	_ =	shalt  }
0x52: {  	_ =	shalt  }
0x53: {  	_ =	shalt  }
0x54: {  	_ =	shalt  }
0x55: {  	_ =	shalt  }
0x56: {  	_ =	shalt  }
0x57: {  	_ =	shalt  }
0x58: {  	_ =	shalt  }
0x59: {  	_ =	shalt  }
0x5a: {  	_ =	shalt  }
0x5b: {  	_ =	shalt  }
0x5c: {  	_ =	shalt  }
0x5d: {  	_ =	shalt  }
0x5e: {  	_ =	shalt  }
0x5f: {  	_ =	shalt  }
0x60: {  	_ =	shalt  }
0x61: {  	_ =	shalt  }
0x62: {  	_ =	shalt  }
0x63: {  	_ =	shalt  }
0x64: {  	_ =	shalt  }
0x65: {  	_ =	shalt  }
0x66: {  	_ =	shalt  }
0x67: {  	_ =	shalt  }
0x68: {  	_ =	shalt  }
0x69: {  	_ =	shalt  }
0x6a: {  	_ =	shalt  }
0x6b: {  	_ =	shalt  }
0x6c: {  	_ =	shalt  }
0x6d: {  	_ =	shalt  }
0x6e: {  	_ =	shalt  }
0x6f: {  	_ =	shalt  }
0x70: {  	_ =	shalt  }
0x71: {  	_ =	shalt  }
0x72: {  	_ =	shalt  }
0x73: {  	_ =	shalt  }
0x74: {  	_ =	shalt  }
0x75: {  	_ =	shalt  }
0x76: {  	_ =	shalt  }
0x77: {  	_ =	shalt  }
0x78: {  	_ =	shalt  }
0x79: {  	_ =	shalt  }
0x7a: {  	_ =	shalt  }
0x7b: {  	_ =	shalt  }
0x7c: {  	_ =	shalt  }
0x7d: {  	_ =	shalt  }
0x7e: {  	_ =	shalt  }
0x7f: {  	_ =	shalt  }
0x80: {  	_ =	shalt  }
0x81: {  	_ =	shalt  }
0x82: {  	_ =	shalt  }
0x83: {  	_ =	shalt  }
0x84: {  	_ =	shalt  }
0x85: {  	_ =	shalt  }
0x86: {  	_ =	shalt  }
0x87: {  	_ =	shalt  }
.Lfunc_end0:
.L_simem_size_0:
called_computation_lowered:
.L_overlay_start_0:
0x88: {  	s2 =	sld [smem:$0x3FD9]  }
0x89: {  	s3 =	sld [smem:$0x3FFE];
	_ =	sdelay $0x1  }
0x8a: {  	s1 =	srdreg.scid  }
0x8b: {  	s0 =	sand.u32 $0x1, s1  }
0x8c: {  	s18 =	sshll.u32 s0, $0xA;
	s2 =	sadd.s32 s3, s2  }
0x8d: {  	s2 =	sadd.s32 s2, s18  }
0x8e: {  	[smem:$0x3FC6] =	sst s2  }
0x8f: {  	_ = 	snop  }
0x90: {  	s2 =	sld [smem:$0x3FC9]  }
0x91: {  	s19 =	sld [smem:$0x3FC8]  }
0x92: {  	s4 =	sld [smem:$0x3FD0];
	(tm) =	ssettm $0x1  }
0x93: {  	s5 =	sld [smem:$0x3FFB];
	_ =	sdelay $0x3  }
0x94: {  	_ =	strace s5  }
0x95: {  	s5 =	sld [smem:$0x3FFC];
	_ =	sdelay $0x3  }
0x96: {  	_ =	strace s5  }
0x97: {  	s5 =	sld [smem:$0x3FFD];
	_ =	sdelay $0x3  }
0x98: {  	_ =	strace s5  }
0x99: {  	_ =	strace $0x8FFFFFFF  }
0x9a: {  	s20 =	sld [smem:$0x3FDB];
	_ =	sdelay $0x1  }
0x9b: {  	s6 =	simm.s32 $_scs_section_size  }
0x9c: {  	s7 =	simm.s32 $_size__tile_overlayer_lowered;
	s8 =	simm.s32 $_tile_overlayer_lowered  }
0x9d: {  	s23 =	simm.s32 $0x1BFF;
	s22 =	sshll.u32 s8, $0x1;
	s5 =	sadd.s32 s6, s20  }
0x9e: {  	s9 =	simm.s32 $0x0;
	s21 =	sshll.u32 s7, $0x1;
	s7 =	sadd.s32 s22, s5  }
0x9f: {  	[timem:s9], [sflag:s23] =	dma.local [hbm:s7], s21  }
0xa0: {  	_ =	swait.ge [sflag:s23], s21  }
0xa1: {  	s6 =	ssub.s32 $0x0, s21;
	[sflag:s23] =	ssyncset.done $0x0  }
0xa2: {  	[sflag:s23] =	ssyncadd.s32 s6;
	_ =	sdelay $0x1  }
0xa3: {  	s24 =	simm.s32 $0x1B8B  }
0xa4: {  	_ =	swait.ge [sflag:s24], $0x1  }
0xa5: {  	[sflag:s24] =	ssyncset.done $0x0  }
0xa6: {  	s25 =	simm.s32 $0x1B8E;
	[sflag:s24] =	ssyncadd.s32 $0xFFFFFFFF  }
0xa7: {  	s26 =	simm.s32 $execute0_lowered;
	[smem:$0x3FD2] =	sst s25  }
0xa8: {  	s6 =	sshll.u32 s26, $0x1;
	_ =	strace $0x80000046;
	[dreg:$0x1] =	wrdreg $0xFFFFFFFF  }
0xa9: {  	s28 =	simm.s32 $_size_execute0_lowered;
	s5 =	sadd.s32 s5, s6;
	[dreg:$0x0] =	wrdreg $0x0  }
0xaa: {  	s6 =	sshll.u32 s28, $0x1;
	[dreg:$0x2] =	wrdreg s5  }
0xab: {  	[dreg:$0x3] =	wrdreg s6  }
0xac: {  	[dreg:$0x4] =	wrdreg $0xC0  }
0xad: {  	_ =	task [dreg:s9], $0x5FFFF  }
0xae: {  	[dreg:$0x1] =	wrdreg $0xFFFFFFFF  }
0xaf: {  	[dreg:$0x0] =	wrdreg $0x60  }
0xb0: {  	[dreg:$0x2] =	wrdreg s2  }
0xb1: {  	[dreg:$0x3] =	wrdreg s19  }
0xb2: {  	[dreg:$0x4] =	wrdreg s4  }
0xb3: {  	[dreg:$0x5] =	wrdreg $0x9  }
0xb4: {  	_ =	task.clear_ibuf [dreg:s9], $0x6FFFF;
	_ =	strace $0x90000046  }
0xb5: {  	s29 =	simm.s32 $0x9;
	_ =	strace $0x80000048  }
0xb6: {  	_ =	swait.ge [sflag:s29], $0x1  }
0xb7: {  	[sflag:s29] =	ssyncadd.s32 $0xFFFFFFFF  }
0xb8: {  	_ =	strace $0x90000048  }
0xb9: {  	_ =	sfence  }
0xba: {  	s30 =	sld [smem:$0x0];
	_ =	sdelay $0x2  }
0xbb: {  	s31 =	sshll.u32 s1, $0xD;
	s1 =	sshrl.u32 s1, $0x2  }
0xbc: {  	s3 =	sand.u32 $0x4000, s31;
	s1 =	sadd.s32 s1, s30  }
0xbd: {  	s0 =	sor.u32 s3, s0;
	s1 =	sshll.u32 s1, $0x11  }
0xbe: {  	s0 =	sor.u32 s1, s0  }
0xbf: {  	s0 =	sadd.s32 $0x8F2B, s0  }
0xc0: {  	[sflag:s0] =	ssyncadd.remote.s32 $0x1  }
0xc1: {  	_ =	sfence.sel $0xFFFF  }
0xc2: {  	[dreg:$0x0] =	wrdreg $0xFFFFFFFF;
	(pc) =	sbr.abs _section_cstart, $3  }
0xc3: {  	[dreg:$0x1] =	wrdreg $0xFFFFFFFF  }
0xc4: {  	_ =	task.clear_ibuf [dreg:s9], $0x2FFFF;
	_ =	strace $0x9FFFFFFF  }
0xc5: {  	(tm) =	ssettm $0x7FFFFFFF  }
tec
execute0_lowered:
.L_overlay_start_1:
0x0: {  	(tag) =	ssettag $0x1  }
0x1: {  	s4 =	stileid.u32;
	s0 =	rddreg [dreg:$0x0]  }
0x2: {  	s1 =	srdreg.scid;
	s7 =	rddreg [dreg:$0x2]  }
0x3: {  	s26 =	simm.s32 $0x80;
	s30 =	simm.s32 $0x200;
	s2 =	sshll.u32 s4, $0x1  }
0x4: {  	s1 =	sand.u32 $0x1, s1;
	s4 =	sshrl.u32 s4, $0x2;
	s3 =	sand.u32 $0x6, s2  }
0x5: {  	s2 =	rddreg [dreg:$0x1];
	s6 =	smul.u32 $0x300000, s4;
	s5 =	sor.u32 s1, s3  }
0x6: {  	s4 =	sshll.u32 s4, $0x4;
	s3 =	simm.s32 $0x0;
	s8 =	smul.u32 $0x60000, s5  }
0x7: {  	s0 =	sadd.s32 s0, s4;
	[smem:$0x7FF] =	sst s3;
	s5 =	sshll.u32 s5, $0x7  }
0x8: {  	_ =	strace $0x80000047;
	[dreg:$0x14] =	wrdreg s26;
	s6 =	sadd.s32 s6, s8  }
0x9: {  	s0 =	sadd.s32 s5, s0;
	[dreg:$0x15] =	wrdreg s30;
	s9 =	sshrl.u32 s6, $0x3  }
0xa: {  	[dreg:$0x4] =	wrdreg s0;
	s9 =	sadd.s32 s7, s9  }
0xb: {  	s10 =	sadd.s32 $0xC00, s9;
	[dreg:$0x16] =	wrdreg s9  }
0xc: {  	s11 =	sadd.s32 $0x1800, s9;
	[dreg:$0x5] =	wrdreg s10  }
0xd: {  	s12 =	sadd.s32 $0x2400, s9;
	[dreg:$0x6] =	wrdreg s11  }
0xe: {  	s31 =	simm.s32 $0x1;
	s13 =	sadd.s32 $0x3000, s9;
	[dreg:$0x7] =	wrdreg s12  }
0xf: {  	s28 =	simm.s32 $0x8;
	s14 =	sadd.s32 $0x3C00, s9;
	[dreg:$0x8] =	wrdreg s13  }
0x10: {  	s29 =	simm.s32 $0x4;
	s15 =	sadd.s32 $0x4800, s9;
	[dreg:$0x9] =	wrdreg s14  }
0x11: {  	s1 =	ssub.s32 $0x2, s1;
	s16 =	sadd.s32 $0x5400, s9;
	[dreg:$0xa] =	wrdreg s15  }
0x12: {  	s19 =	sshrl.u32 s1, $0x1;
	s17 =	sadd.s32 $0x6000, s9;
	[dreg:$0xb] =	wrdreg s16  }
0x13: {  	s1 =	ssub.s32 s1, s19;
	s18 =	sadd.s32 $0x6C00, s9;
	[dreg:$0xc] =	wrdreg s17  }
0x14: {  	s5 =	sadd.s32 $0x100, s2;
	s20 =	sadd.s32 $0x7800, s9;
	[dreg:$0xd] =	wrdreg s18  }
0x15: {  	s19 =	simm.s32 $0x12100;
	s21 =	sadd.s32 $0x8400, s9;
	[dreg:$0xe] =	wrdreg s20  }
0x16: {  	s8 =	sadd.s32 $0x400, s2;
	s22 =	sadd.s32 $0x9000, s9;
	[dreg:$0xf] =	wrdreg s21  }
0x17: {  	s0 =	simm.s32 $0x100;
	s23 =	sadd.s32 $0x9C00, s9;
	[dreg:$0x10] =	wrdreg s22  }
0x18: {  	s6 =	sadd.s32 $0x200, s2;
	s24 =	sadd.s32 $0xA800, s9;
	[dreg:$0x11] =	wrdreg s23  }
0x19: {  	s7 =	sadd.s32 $0x300, s2;
	s25 =	sadd.s32 $0xB400, s9;
	[dreg:$0x12] =	wrdreg s24  }
0x1a: {  	s9 =	sadd.s32 $0x500, s2;
	[dreg:$0x13] =	wrdreg s25;
	s10 =	smax.u32 s1, $0x1  }
0x1b: {  	v2 =	vlaneseq.u32;
	s1 =	simm.s32 $0x6;
	s21 =	simm.s32 $0x2;
	s11 =	simm.s32 $0x7  }
0x1c: {  	vm0 =	vmmov $0xffff;
	v1 =	vshrl.u32 v2, $0x3;
	s25 =	simm.s32 $0x3;
	s13 =	simm.s32 $0x9;
	s14 =	simm.s32 $0x5  }
0x1d: {  	v0 =	vand.u32 $0x7, v2;
	v2 =	vor.u32 $0x8, v2;
	v1 =	vmul.u32 $0x8, v1;
	s15 =	simm.s32 $0xA;
	s12 =	simm.s32 $0xC100;
	s20 =	simm.s32 $0x18100  }
.LBB2_1:
0x1e: {  	s16 =	rddreg [dreg:$0x4]  }
0x1f: {  	s17 =	rddreg [dreg:$0x14]  }
0x20: {  	s18 =	rddreg [dreg:$0x15];
	s4 =	simm.s32 $0xB  }
0x21: {  	[tilespmem:s3], [sflag:$0xB] =	stream.strided.gather [hbm4b:s16+s17], $0x100, s18, s17, $0x38;
	[tilespmem:$0x1E100] =	vst v63  }
0x22: {  	_ =	swait.ge [sflag:s4], $0x100  }
0x23: {  	[sflag:s4] =	ssyncset.done $0x0  }
0x24: {  	[sflag:s4] =	ssyncadd.s32 $0xFFFFFF00  }
0x25: {  	v3 =	vld [tilespmem:$0x0];
	_ =	sdelay $0x4  }
0x26: {  	v4 =	vshrl.u32 v3, $0x3  }
0x27: {  	v4 =	vmul.u32 $0x60, v4  }
0x28: {  	v3 =	vand.u32 $0x7, v3  }
0x29: {  	v3 =	vor.u32 v3, v4  }
0x2a: {  	v4 =	vperm.xlane v3, v0;
	_ =	sdelay $0x1  }
0x2b: {  	v4 =	vadd.s32 v1, v4;
	_ =	sdelay $0x4  }
0x2c: {  	[tilespmem:s0], [sflag:$0x1] =	stream.indirect_vreg.gather [hbm4b:s2+s3], $0x80, v4, vm0, $0xb8;
	[tilespmem:$0x1E100] =	vst v63  }
0x2d: {  	s4 =	simm.s32 $0x900  }
0x2e: {  	[tilespmem:s4], [sflag:$0x1] =	stream.indirect_vreg.gather [hbm4b:s5+s3], $0x80, v4, vm0, $0xb8;
	[tilespmem:$0x1E100] =	vst v63  }
0x2f: {  	s17 =	simm.s32 $0x1100  }
0x30: {  	[tilespmem:s17], [sflag:$0x1] =	stream.indirect_vreg.gather [hbm4b:s6+s3], $0x80, v4, vm0, $0xb8;
	[tilespmem:$0x1E100] =	vst v63  }
0x31: {  	s18 =	simm.s32 $0x1900;
	v3 =	vperm.xlane v3, v2  }
0x32: {  	[tilespmem:s18], [sflag:$0x1] =	stream.indirect_vreg.gather [hbm4b:s7+s3], $0x80, v4, vm0, $0xb8;
	[tilespmem:$0x1E100] =	vst v63  }
0x33: {  	s22 =	simm.s32 $0x2100;
	v3 =	vadd.s32 v1, v3  }
0x34: {  	[tilespmem:s22], [sflag:$0x1] =	stream.indirect_vreg.gather [hbm4b:s8+s3], $0x80, v4, vm0, $0xb8;
	[tilespmem:$0x1E100] =	vst v63  }
0x35: {  	s23 =	simm.s32 $0x2900  }
0x36: {  	[tilespmem:s23], [sflag:$0x1] =	stream.indirect_vreg.gather [hbm4b:s9+s3], $0x80, v4, vm0, $0xb8;
	[tilespmem:$0x1E100] =	vst v63  }
0x37: {  	s24 =	simm.s32 $0x3100  }
0x38: {  	[tilespmem:s24], [sflag:$0x1] =	stream.indirect_vreg.gather [hbm4b:s2+s3], $0x80, v3, vm0, $0xb8;
	[tilespmem:$0x1E100] =	vst v63  }
0x39: {  	s26 =	simm.s32 $0x3900  }
0x3a: {  	[tilespmem:s26], [sflag:$0x1] =	stream.indirect_vreg.gather [hbm4b:s5+s3], $0x80, v3, vm0, $0xb8;
	[tilespmem:$0x1E100] =	vst v63  }
0x3b: {  	s30 =	simm.s32 $0x4100  }
0x3c: {  	[tilespmem:s30], [sflag:$0x1] =	stream.indirect_vreg.gather [hbm4b:s6+s3], $0x80, v3, vm0, $0xb8;
	[tilespmem:$0x1E100] =	vst v63  }
0x3d: {  	s16 =	simm.s32 $0x4900  }
0x3e: {  	[tilespmem:s16], [sflag:$0x1] =	stream.indirect_vreg.gather [hbm4b:s7+s3], $0x80, v3, vm0, $0xb8;
	[tilespmem:$0x1E100] =	vst v63  }
0x3f: {  	s17 =	simm.s32 $0x5100  }
0x40: {  	[tilespmem:s17], [sflag:$0x1] =	stream.indirect_vreg.gather [hbm4b:s8+s3], $0x80, v3, vm0, $0xb8;
	[tilespmem:$0x1E100] =	vst v63  }
0x41: {  	s22 =	simm.s32 $0x5900  }
0x42: {  	[tilespmem:s22], [sflag:$0x1] =	stream.indirect_vreg.gather [hbm4b:s9+s3], $0x80, v3, vm0, $0xb8;
	[tilespmem:$0x1E100] =	vst v63  }
0x43: {  	v3 =	vld [tilespmem:$0x10];
	_ =	sdelay $0x4  }
0x44: {  	v49 =	vshrl.u32 v3, $0x3  }
0x45: {  	v4 =	vmul.u32 $0x60, v49  }
0x46: {  	v3 =	vand.u32 $0x7, v3  }
0x47: {  	v3 =	vor.u32 v3, v4  }
0x48: {  	v4 =	vperm.xlane v3, v0;
	_ =	sdelay $0x1  }
0x49: {  	v4 =	vadd.s32 v1, v4;
	_ =	sdelay $0x3  }
0x4a: {  	s17 =	simm.s32 $0x6100  }
0x4b: {  	[tilespmem:s17], [sflag:$0x2] =	stream.indirect_vreg.gather [hbm4b:s2+s3], $0x80, v4, vm0, $0xb8;
	[tilespmem:$0x1E100] =	vst v63  }
0x4c: {  	s16 =	simm.s32 $0x6900  }
0x4d: {  	[tilespmem:s16], [sflag:$0x2] =	stream.indirect_vreg.gather [hbm4b:s5+s3], $0x80, v4, vm0, $0xb8;
	[tilespmem:$0x1E100] =	vst v63  }
0x4e: {  	s16 =	simm.s32 $0x7100  }
0x4f: {  	[tilespmem:s16], [sflag:$0x2] =	stream.indirect_vreg.gather [hbm4b:s6+s3], $0x80, v4, vm0, $0xb8;
	[tilespmem:$0x1E100] =	vst v63  }
0x50: {  	v3 =	vperm.xlane v3, v2;
	s16 =	simm.s32 $0x7900  }
0x51: {  	[tilespmem:s16], [sflag:$0x2] =	stream.indirect_vreg.gather [hbm4b:s7+s3], $0x80, v4, vm0, $0xb8;
	[tilespmem:$0x1E100] =	vst v63  }
0x52: {  	v3 =	vadd.s32 v1, v3;
	s16 =	simm.s32 $0x8100  }
0x53: {  	[tilespmem:s16], [sflag:$0x2] =	stream.indirect_vreg.gather [hbm4b:s8+s3], $0x80, v4, vm0, $0xb8;
	[tilespmem:$0x1E100] =	vst v63  }
0x54: {  	s16 =	simm.s32 $0x8900  }
0x55: {  	[tilespmem:s16], [sflag:$0x2] =	stream.indirect_vreg.gather [hbm4b:s9+s3], $0x80, v4, vm0, $0xb8;
	[tilespmem:$0x1E100] =	vst v63  }
0x56: {  	s16 =	simm.s32 $0x9100  }
0x57: {  	[tilespmem:s16], [sflag:$0x2] =	stream.indirect_vreg.gather [hbm4b:s2+s3], $0x80, v3, vm0, $0xb8;
	[tilespmem:$0x1E100] =	vst v63  }
0x58: {  	s16 =	simm.s32 $0x9900  }
0x59: {  	[tilespmem:s16], [sflag:$0x2] =	stream.indirect_vreg.gather [hbm4b:s5+s3], $0x80, v3, vm0, $0xb8;
	[tilespmem:$0x1E100] =	vst v63  }
0x5a: {  	s16 =	simm.s32 $0xA100  }
0x5b: {  	[tilespmem:s16], [sflag:$0x2] =	stream.indirect_vreg.gather [hbm4b:s6+s3], $0x80, v3, vm0, $0xb8;
	[tilespmem:$0x1E100] =	vst v63  }
0x5c: {  	s16 =	simm.s32 $0xA900  }
0x5d: {  	[tilespmem:s16], [sflag:$0x2] =	stream.indirect_vreg.gather [hbm4b:s7+s3], $0x80, v3, vm0, $0xb8;
	[tilespmem:$0x1E100] =	vst v63  }
0x5e: {  	s16 =	simm.s32 $0xB100  }
0x5f: {  	[tilespmem:s16], [sflag:$0x2] =	stream.indirect_vreg.gather [hbm4b:s8+s3], $0x80, v3, vm0, $0xb8;
	[tilespmem:$0x1E100] =	vst v63  }
0x60: {  	s16 =	simm.s32 $0xB900  }
0x61: {  	[tilespmem:s16], [sflag:$0x2] =	stream.indirect_vreg.gather [hbm4b:s9+s3], $0x80, v3, vm0, $0xb8;
	[tilespmem:$0x1E100] =	vst v63  }
0x62: {  	v3 =	vld [tilespmem:$0x20];
	_ =	sdelay $0x4  }
0x63: {  	v50 =	vshrl.u32 v3, $0x3  }
0x64: {  	v4 =	vmul.u32 $0x60, v50  }
0x65: {  	v3 =	vand.u32 $0x7, v3  }
0x66: {  	v3 =	vor.u32 v3, v4  }
0x67: {  	v4 =	vperm.xlane v3, v0;
	_ =	sdelay $0x1  }
0x68: {  	v4 =	vadd.s32 v1, v4;
	_ =	sdelay $0x4  }
0x69: {  	[tilespmem:s12], [sflag:$0x3] =	stream.indirect_vreg.gather [hbm4b:s2+s3], $0x80, v4, vm0, $0xb8;
	[tilespmem:$0x1E100] =	vst v63  }
0x6a: {  	s16 =	simm.s32 $0xC900  }
0x6b: {  	[tilespmem:s16], [sflag:$0x3] =	stream.indirect_vreg.gather [hbm4b:s5+s3], $0x80, v4, vm0, $0xb8;
	[tilespmem:$0x1E100] =	vst v63  }
0x6c: {  	s16 =	simm.s32 $0xD100  }
0x6d: {  	[tilespmem:s16], [sflag:$0x3] =	stream.indirect_vreg.gather [hbm4b:s6+s3], $0x80, v4, vm0, $0xb8;
	[tilespmem:$0x1E100] =	vst v63  }
0x6e: {  	v3 =	vperm.xlane v3, v2;
	s16 =	simm.s32 $0xD900  }
0x6f: {  	[tilespmem:s16], [sflag:$0x3] =	stream.indirect_vreg.gather [hbm4b:s7+s3], $0x80, v4, vm0, $0xb8;
	[tilespmem:$0x1E100] =	vst v63  }
0x70: {  	v3 =	vadd.s32 v1, v3;
	s16 =	simm.s32 $0xE100  }
0x71: {  	[tilespmem:s16], [sflag:$0x3] =	stream.indirect_vreg.gather [hbm4b:s8+s3], $0x80, v4, vm0, $0xb8;
	[tilespmem:$0x1E100] =	vst v63  }
0x72: {  	s16 =	simm.s32 $0xE900  }
0x73: {  	[tilespmem:s16], [sflag:$0x3] =	stream.indirect_vreg.gather [hbm4b:s9+s3], $0x80, v4, vm0, $0xb8;
	[tilespmem:$0x1E100] =	vst v63  }
0x74: {  	s16 =	simm.s32 $0xF100  }
0x75: {  	[tilespmem:s16], [sflag:$0x3] =	stream.indirect_vreg.gather [hbm4b:s2+s3], $0x80, v3, vm0, $0xb8;
	[tilespmem:$0x1E100] =	vst v63  }
0x76: {  	s16 =	simm.s32 $0xF900  }
0x77: {  	[tilespmem:s16], [sflag:$0x3] =	stream.indirect_vreg.gather [hbm4b:s5+s3], $0x80, v3, vm0, $0xb8;
	[tilespmem:$0x1E100] =	vst v63  }
0x78: {  	s16 =	simm.s32 $0x10100  }
0x79: {  	[tilespmem:s16], [sflag:$0x3] =	stream.indirect_vreg.gather [hbm4b:s6+s3], $0x80, v3, vm0, $0xb8;
	[tilespmem:$0x1E100] =	vst v63  }
0x7a: {  	s16 =	simm.s32 $0x10900  }
0x7b: {  	[tilespmem:s16], [sflag:$0x3] =	stream.indirect_vreg.gather [hbm4b:s7+s3], $0x80, v3, vm0, $0xb8;
	[tilespmem:$0x1E100] =	vst v63  }
0x7c: {  	s16 =	simm.s32 $0x11100  }
0x7d: {  	[tilespmem:s16], [sflag:$0x3] =	stream.indirect_vreg.gather [hbm4b:s8+s3], $0x80, v3, vm0, $0xb8;
	[tilespmem:$0x1E100] =	vst v63  }
0x7e: {  	s16 =	simm.s32 $0x11900  }
0x7f: {  	[tilespmem:s16], [sflag:$0x3] =	stream.indirect_vreg.gather [hbm4b:s9+s3], $0x80, v3, vm0, $0xb8;
	[tilespmem:$0x1E100] =	vst v63  }
0x80: {  	v3 =	vld [tilespmem:$0x30];
	_ =	sdelay $0x4  }
0x81: {  	v51 =	vshrl.u32 v3, $0x3  }
0x82: {  	v4 =	vmul.u32 $0x60, v51  }
0x83: {  	v3 =	vand.u32 $0x7, v3  }
0x84: {  	v3 =	vor.u32 v3, v4  }
0x85: {  	v4 =	vperm.xlane v3, v0;
	_ =	sdelay $0x1  }
0x86: {  	v4 =	vadd.s32 v1, v4;
	_ =	sdelay $0x4  }
0x87: {  	[tilespmem:s19], [sflag:$0x4] =	stream.indirect_vreg.gather [hbm4b:s2+s3], $0x80, v4, vm0, $0xb8;
	[tilespmem:$0x1E100] =	vst v63  }
0x88: {  	s16 =	simm.s32 $0x12900  }
0x89: {  	[tilespmem:s16], [sflag:$0x4] =	stream.indirect_vreg.gather [hbm4b:s5+s3], $0x80, v4, vm0, $0xb8;
	[tilespmem:$0x1E100] =	vst v63  }
0x8a: {  	s16 =	simm.s32 $0x13100  }
0x8b: {  	[tilespmem:s16], [sflag:$0x4] =	stream.indirect_vreg.gather [hbm4b:s6+s3], $0x80, v4, vm0, $0xb8;
	[tilespmem:$0x1E100] =	vst v63  }
0x8c: {  	v3 =	vperm.xlane v3, v2;
	s16 =	simm.s32 $0x13900  }
0x8d: {  	[tilespmem:s16], [sflag:$0x4] =	stream.indirect_vreg.gather [hbm4b:s7+s3], $0x80, v4, vm0, $0xb8;
	[tilespmem:$0x1E100] =	vst v63  }
0x8e: {  	v3 =	vadd.s32 v1, v3;
	s16 =	simm.s32 $0x14100  }
0x8f: {  	[tilespmem:s16], [sflag:$0x4] =	stream.indirect_vreg.gather [hbm4b:s8+s3], $0x80, v4, vm0, $0xb8;
	[tilespmem:$0x1E100] =	vst v63  }
0x90: {  	s16 =	simm.s32 $0x14900  }
0x91: {  	[tilespmem:s16], [sflag:$0x4] =	stream.indirect_vreg.gather [hbm4b:s9+s3], $0x80, v4, vm0, $0xb8;
	[tilespmem:$0x1E100] =	vst v63  }
0x92: {  	s16 =	simm.s32 $0x15100  }
0x93: {  	[tilespmem:s16], [sflag:$0x4] =	stream.indirect_vreg.gather [hbm4b:s2+s3], $0x80, v3, vm0, $0xb8;
	[tilespmem:$0x1E100] =	vst v63  }
0x94: {  	s16 =	simm.s32 $0x15900  }
0x95: {  	[tilespmem:s16], [sflag:$0x4] =	stream.indirect_vreg.gather [hbm4b:s5+s3], $0x80, v3, vm0, $0xb8;
	[tilespmem:$0x1E100] =	vst v63  }
0x96: {  	s16 =	simm.s32 $0x16100  }
0x97: {  	[tilespmem:s16], [sflag:$0x4] =	stream.indirect_vreg.gather [hbm4b:s6+s3], $0x80, v3, vm0, $0xb8;
	[tilespmem:$0x1E100] =	vst v63  }
0x98: {  	s16 =	simm.s32 $0x16900  }
0x99: {  	[tilespmem:s16], [sflag:$0x4] =	stream.indirect_vreg.gather [hbm4b:s7+s3], $0x80, v3, vm0, $0xb8;
	[tilespmem:$0x1E100] =	vst v63  }
0x9a: {  	s16 =	simm.s32 $0x17100  }
0x9b: {  	[tilespmem:s16], [sflag:$0x4] =	stream.indirect_vreg.gather [hbm4b:s8+s3], $0x80, v3, vm0, $0xb8;
	[tilespmem:$0x1E100] =	vst v63  }
0x9c: {  	s16 =	simm.s32 $0x17900  }
0x9d: {  	[tilespmem:s16], [sflag:$0x4] =	stream.indirect_vreg.gather [hbm4b:s9+s3], $0x80, v3, vm0, $0xb8;
	[tilespmem:$0x1E100] =	vst v63  }
0x9e: {  	v3 =	vld [tilespmem:$0x40];
	_ =	sdelay $0x4  }
0x9f: {  	v52 =	vshrl.u32 v3, $0x3  }
0xa0: {  	v4 =	vmul.u32 $0x60, v52  }
0xa1: {  	v3 =	vand.u32 $0x7, v3  }
0xa2: {  	v3 =	vor.u32 v3, v4  }
0xa3: {  	v4 =	vperm.xlane v3, v0;
	_ =	sdelay $0x1  }
0xa4: {  	v4 =	vadd.s32 v1, v4;
	_ =	sdelay $0x4  }
0xa5: {  	[tilespmem:s20], [sflag:$0x5] =	stream.indirect_vreg.gather [hbm4b:s2+s3], $0x80, v4, vm0, $0xb8;
	[tilespmem:$0x1E100] =	vst v63  }
0xa6: {  	s16 =	simm.s32 $0x18900  }
0xa7: {  	[tilespmem:s16], [sflag:$0x5] =	stream.indirect_vreg.gather [hbm4b:s5+s3], $0x80, v4, vm0, $0xb8;
	[tilespmem:$0x1E100] =	vst v63  }
0xa8: {  	s16 =	simm.s32 $0x19100  }
0xa9: {  	[tilespmem:s16], [sflag:$0x5] =	stream.indirect_vreg.gather [hbm4b:s6+s3], $0x80, v4, vm0, $0xb8;
	[tilespmem:$0x1E100] =	vst v63  }
0xaa: {  	v3 =	vperm.xlane v3, v2;
	s16 =	simm.s32 $0x19900  }
0xab: {  	[tilespmem:s16], [sflag:$0x5] =	stream.indirect_vreg.gather [hbm4b:s7+s3], $0x80, v4, vm0, $0xb8;
	[tilespmem:$0x1E100] =	vst v63  }
0xac: {  	v3 =	vadd.s32 v1, v3;
	s16 =	simm.s32 $0x1A100  }
0xad: {  	[tilespmem:s16], [sflag:$0x5] =	stream.indirect_vreg.gather [hbm4b:s8+s3], $0x80, v4, vm0, $0xb8;
	[tilespmem:$0x1E100] =	vst v63  }
0xae: {  	s16 =	simm.s32 $0x1A900  }
0xaf: {  	[tilespmem:s16], [sflag:$0x5] =	stream.indirect_vreg.gather [hbm4b:s9+s3], $0x80, v4, vm0, $0xb8;
	[tilespmem:$0x1E100] =	vst v63  }
0xb0: {  	s16 =	simm.s32 $0x1B100  }
0xb1: {  	[tilespmem:s16], [sflag:$0x5] =	stream.indirect_vreg.gather [hbm4b:s2+s3], $0x80, v3, vm0, $0xb8;
	[tilespmem:$0x1E100] =	vst v63  }
0xb2: {  	s16 =	simm.s32 $0x1B900  }
0xb3: {  	[tilespmem:s16], [sflag:$0x5] =	stream.indirect_vreg.gather [hbm4b:s5+s3], $0x80, v3, vm0, $0xb8;
	[tilespmem:$0x1E100] =	vst v63  }
0xb4: {  	s16 =	simm.s32 $0x1C100  }
0xb5: {  	[tilespmem:s16], [sflag:$0x5] =	stream.indirect_vreg.gather [hbm4b:s6+s3], $0x80, v3, vm0, $0xb8;
	[tilespmem:$0x1E100] =	vst v63  }
0xb6: {  	s16 =	simm.s32 $0x1C900  }
0xb7: {  	[tilespmem:s16], [sflag:$0x5] =	stream.indirect_vreg.gather [hbm4b:s7+s3], $0x80, v3, vm0, $0xb8;
	[tilespmem:$0x1E100] =	vst v63  }
0xb8: {  	s16 =	simm.s32 $0x1D100  }
0xb9: {  	[tilespmem:s16], [sflag:$0x5] =	stream.indirect_vreg.gather [hbm4b:s8+s3], $0x80, v3, vm0, $0xb8;
	[tilespmem:$0x1E100] =	vst v63  }
0xba: {  	s16 =	simm.s32 $0x1D900  }
0xbb: {  	[tilespmem:s16], [sflag:$0x5] =	stream.indirect_vreg.gather [hbm4b:s9+s3], $0x80, v3, vm0, $0xb8;
	[tilespmem:$0x1E100] =	vst v63  }
0xbc: {  	_ =	swait.ge [sflag:s31], $0x6000  }
0xbd: {  	[sflag:s31] =	ssyncset.done $0x0  }
0xbe: {  	s4 =	rddreg [dreg:$0x16];
	[sflag:s31] =	ssyncadd.s32 $0xFFFFA000  }
0xbf: {  	[hbm4b:s4+s3] =	stream.linear.scatter [tilespmem:s0], [sflag:$0x6], $0x6000, $0x38;
	[tilespmem:$0x1E100] =	vst v63  }
0xc0: {  	_ =	swait.ge [sflag:s1], $0x6000  }
0xc1: {  	[sflag:s1] =	ssyncset.done $0x0  }
0xc2: {  	[sflag:s1] =	ssyncadd.s32 $0xFFFFA000  }
0xc3: {  	v3 =	vld [tilespmem:$0x50];
	_ =	sdelay $0x4  }
0xc4: {  	v53 =	vshrl.u32 v3, $0x3  }
0xc5: {  	v4 =	vmul.u32 $0x60, v53  }
0xc6: {  	v3 =	vand.u32 $0x7, v3  }
0xc7: {  	v3 =	vor.u32 v3, v4  }
0xc8: {  	v4 =	vperm.xlane v3, v0;
	_ =	sdelay $0x1  }
0xc9: {  	v4 =	vadd.s32 v1, v4;
	_ =	sdelay $0x4  }
0xca: {  	[tilespmem:s0], [sflag:$0x1] =	stream.indirect_vreg.gather [hbm4b:s2+s3], $0x80, v4, vm0, $0xb8;
	[tilespmem:$0x1E100] =	vst v63  }
0xcb: {  	s16 =	simm.s32 $0x900  }
0xcc: {  	[tilespmem:s16], [sflag:$0x1] =	stream.indirect_vreg.gather [hbm4b:s5+s3], $0x80, v4, vm0, $0xb8;
	[tilespmem:$0x1E100] =	vst v63  }
0xcd: {  	s4 =	simm.s32 $0x1100  }
0xce: {  	[tilespmem:s4], [sflag:$0x1] =	stream.indirect_vreg.gather [hbm4b:s6+s3], $0x80, v4, vm0, $0xb8;
	[tilespmem:$0x1E100] =	vst v63  }
0xcf: {  	s18 =	simm.s32 $0x1900;
	v3 =	vperm.xlane v3, v2  }
0xd0: {  	[tilespmem:s18], [sflag:$0x1] =	stream.indirect_vreg.gather [hbm4b:s7+s3], $0x80, v4, vm0, $0xb8;
	[tilespmem:$0x1E100] =	vst v63  }
0xd1: {  	v3 =	vadd.s32 v1, v3;
	s18 =	simm.s32 $0x2100  }
0xd2: {  	[tilespmem:s18], [sflag:$0x1] =	stream.indirect_vreg.gather [hbm4b:s8+s3], $0x80, v4, vm0, $0xb8;
	[tilespmem:$0x1E100] =	vst v63  }
0xd3: {  	s16 =	simm.s32 $0x2900  }
0xd4: {  	[tilespmem:s16], [sflag:$0x1] =	stream.indirect_vreg.gather [hbm4b:s9+s3], $0x80, v4, vm0, $0xb8;
	[tilespmem:$0x1E100] =	vst v63  }
0xd5: {  	s16 =	simm.s32 $0x3100  }
0xd6: {  	[tilespmem:s16], [sflag:$0x1] =	stream.indirect_vreg.gather [hbm4b:s2+s3], $0x80, v3, vm0, $0xb8;
	[tilespmem:$0x1E100] =	vst v63  }
0xd7: {  	s23 =	simm.s32 $0x3900  }
0xd8: {  	[tilespmem:s23], [sflag:$0x1] =	stream.indirect_vreg.gather [hbm4b:s5+s3], $0x80, v3, vm0, $0xb8;
	[tilespmem:$0x1E100] =	vst v63  }
0xd9: {  	s24 =	simm.s32 $0x4100  }
0xda: {  	[tilespmem:s24], [sflag:$0x1] =	stream.indirect_vreg.gather [hbm4b:s6+s3], $0x80, v3, vm0, $0xb8;
	[tilespmem:$0x1E100] =	vst v63  }
0xdb: {  	s26 =	simm.s32 $0x4900  }
0xdc: {  	[tilespmem:s26], [sflag:$0x1] =	stream.indirect_vreg.gather [hbm4b:s7+s3], $0x80, v3, vm0, $0xb8;
	[tilespmem:$0x1E100] =	vst v63  }
0xdd: {  	s30 =	simm.s32 $0x5100  }
0xde: {  	[tilespmem:s30], [sflag:$0x1] =	stream.indirect_vreg.gather [hbm4b:s8+s3], $0x80, v3, vm0, $0xb8;
	[tilespmem:$0x1E100] =	vst v63  }
0xdf: {  	s22 =	simm.s32 $0x5900  }
0xe0: {  	[tilespmem:s22], [sflag:$0x1] =	stream.indirect_vreg.gather [hbm4b:s9+s3], $0x80, v3, vm0, $0xb8;
	[tilespmem:$0x1E100] =	vst v63  }
0xe1: {  	_ =	swait.ge [sflag:s21], $0x6000  }
0xe2: {  	[sflag:s21] =	ssyncset.done $0x0  }
0xe3: {  	s30 =	rddreg [dreg:$0x5];
	[sflag:s21] =	ssyncadd.s32 $0xFFFFA000  }
0xe4: {  	[hbm4b:s30+s3] =	stream.linear.scatter [tilespmem:s17], [sflag:$0x7], $0x6000, $0x38;
	[tilespmem:$0x1E100] =	vst v63  }
0xe5: {  	_ =	swait.ge [sflag:s11], $0x6000  }
0xe6: {  	[sflag:s11] =	ssyncset.done $0x0  }
0xe7: {  	[sflag:s11] =	ssyncadd.s32 $0xFFFFA000  }
0xe8: {  	v3 =	vld [tilespmem:$0x60];
	_ =	sdelay $0x4  }
0xe9: {  	v54 =	vshrl.u32 v3, $0x3  }
0xea: {  	v4 =	vmul.u32 $0x60, v54  }
0xeb: {  	v3 =	vand.u32 $0x7, v3  }
0xec: {  	v3 =	vor.u32 v3, v4  }
0xed: {  	v4 =	vperm.xlane v3, v0;
	_ =	sdelay $0x1  }
0xee: {  	v4 =	vadd.s32 v1, v4;
	_ =	sdelay $0x4  }
0xef: {  	[tilespmem:s17], [sflag:$0x2] =	stream.indirect_vreg.gather [hbm4b:s2+s3], $0x80, v4, vm0, $0xb8;
	[tilespmem:$0x1E100] =	vst v63  }
0xf0: {  	s22 =	simm.s32 $0x6900  }
0xf1: {  	[tilespmem:s22], [sflag:$0x2] =	stream.indirect_vreg.gather [hbm4b:s5+s3], $0x80, v4, vm0, $0xb8;
	[tilespmem:$0x1E100] =	vst v63  }
0xf2: {  	s23 =	simm.s32 $0x7100  }
0xf3: {  	[tilespmem:s23], [sflag:$0x2] =	stream.indirect_vreg.gather [hbm4b:s6+s3], $0x80, v4, vm0, $0xb8;
	[tilespmem:$0x1E100] =	vst v63  }
0xf4: {  	s24 =	simm.s32 $0x7900;
	v3 =	vperm.xlane v3, v2  }
0xf5: {  	[tilespmem:s24], [sflag:$0x2] =	stream.indirect_vreg.gather [hbm4b:s7+s3], $0x80, v4, vm0, $0xb8;
	[tilespmem:$0x1E100] =	vst v63  }
0xf6: {  	s26 =	simm.s32 $0x8100;
	v3 =	vadd.s32 v1, v3  }
0xf7: {  	[tilespmem:s26], [sflag:$0x2] =	stream.indirect_vreg.gather [hbm4b:s8+s3], $0x80, v4, vm0, $0xb8;
	[tilespmem:$0x1E100] =	vst v63  }
0xf8: {  	s30 =	simm.s32 $0x8900  }
0xf9: {  	[tilespmem:s30], [sflag:$0x2] =	stream.indirect_vreg.gather [hbm4b:s9+s3], $0x80, v4, vm0, $0xb8;
	[tilespmem:$0x1E100] =	vst v63  }
0xfa: {  	s22 =	simm.s32 $0x9100  }
0xfb: {  	[tilespmem:s22], [sflag:$0x2] =	stream.indirect_vreg.gather [hbm4b:s2+s3], $0x80, v3, vm0, $0xb8;
	[tilespmem:$0x1E100] =	vst v63  }
0xfc: {  	s23 =	simm.s32 $0x9900  }
0xfd: {  	[tilespmem:s23], [sflag:$0x2] =	stream.indirect_vreg.gather [hbm4b:s5+s3], $0x80, v3, vm0, $0xb8;
	[tilespmem:$0x1E100] =	vst v63  }
0xfe: {  	s24 =	simm.s32 $0xA100  }
0xff: {  	[tilespmem:s24], [sflag:$0x2] =	stream.indirect_vreg.gather [hbm4b:s6+s3], $0x80, v3, vm0, $0xb8;
	[tilespmem:$0x1E100] =	vst v63  }
0x100: {  	s26 =	simm.s32 $0xA900  }
0x101: {  	[tilespmem:s26], [sflag:$0x2] =	stream.indirect_vreg.gather [hbm4b:s7+s3], $0x80, v3, vm0, $0xb8;
	[tilespmem:$0x1E100] =	vst v63  }
0x102: {  	s30 =	simm.s32 $0xB100  }
0x103: {  	[tilespmem:s30], [sflag:$0x2] =	stream.indirect_vreg.gather [hbm4b:s8+s3], $0x80, v3, vm0, $0xb8;
	[tilespmem:$0x1E100] =	vst v63  }
0x104: {  	s22 =	simm.s32 $0xB900  }
0x105: {  	[tilespmem:s22], [sflag:$0x2] =	stream.indirect_vreg.gather [hbm4b:s9+s3], $0x80, v3, vm0, $0xb8;
	[tilespmem:$0x1E100] =	vst v63  }
0x106: {  	_ =	swait.ge [sflag:s25], $0x6000  }
0x107: {  	[sflag:s25] =	ssyncset.done $0x0  }
0x108: {  	s23 =	rddreg [dreg:$0x6];
	[sflag:s25] =	ssyncadd.s32 $0xFFFFA000  }
0x109: {  	[hbm4b:s23+s3] =	stream.linear.scatter [tilespmem:s12], [sflag:$0x8], $0x6000, $0x38;
	[tilespmem:$0x1E100] =	vst v63  }
0x10a: {  	_ =	swait.ge [sflag:s28], $0x6000  }
0x10b: {  	[sflag:s28] =	ssyncset.done $0x0  }
0x10c: {  	[sflag:s28] =	ssyncadd.s32 $0xFFFFA000  }
0x10d: {  	v3 =	vld [tilespmem:$0x70];
	_ =	sdelay $0x4  }
0x10e: {  	v55 =	vshrl.u32 v3, $0x3  }
0x10f: {  	v4 =	vmul.u32 $0x60, v55  }
0x110: {  	v3 =	vand.u32 $0x7, v3  }
0x111: {  	v3 =	vor.u32 v3, v4  }
0x112: {  	v4 =	vperm.xlane v3, v0;
	_ =	sdelay $0x1  }
0x113: {  	v4 =	vadd.s32 v1, v4;
	_ =	sdelay $0x4  }
0x114: {  	[tilespmem:s12], [sflag:$0x3] =	stream.indirect_vreg.gather [hbm4b:s2+s3], $0x80, v4, vm0, $0xb8;
	[tilespmem:$0x1E100] =	vst v63  }
0x115: {  	s24 =	simm.s32 $0xC900  }
0x116: {  	[tilespmem:s24], [sflag:$0x3] =	stream.indirect_vreg.gather [hbm4b:s5+s3], $0x80, v4, vm0, $0xb8;
	[tilespmem:$0x1E100] =	vst v63  }
0x117: {  	s26 =	simm.s32 $0xD100  }
0x118: {  	[tilespmem:s26], [sflag:$0x3] =	stream.indirect_vreg.gather [hbm4b:s6+s3], $0x80, v4, vm0, $0xb8;
	[tilespmem:$0x1E100] =	vst v63  }
0x119: {  	s30 =	simm.s32 $0xD900;
	v3 =	vperm.xlane v3, v2  }
0x11a: {  	[tilespmem:s30], [sflag:$0x3] =	stream.indirect_vreg.gather [hbm4b:s7+s3], $0x80, v4, vm0, $0xb8;
	[tilespmem:$0x1E100] =	vst v63  }
0x11b: {  	s22 =	simm.s32 $0xE100;
	v3 =	vadd.s32 v1, v3  }
0x11c: {  	[tilespmem:s22], [sflag:$0x3] =	stream.indirect_vreg.gather [hbm4b:s8+s3], $0x80, v4, vm0, $0xb8;
	[tilespmem:$0x1E100] =	vst v63  }
0x11d: {  	s23 =	simm.s32 $0xE900  }
0x11e: {  	[tilespmem:s23], [sflag:$0x3] =	stream.indirect_vreg.gather [hbm4b:s9+s3], $0x80, v4, vm0, $0xb8;
	[tilespmem:$0x1E100] =	vst v63  }
0x11f: {  	s24 =	simm.s32 $0xF100  }
0x120: {  	[tilespmem:s24], [sflag:$0x3] =	stream.indirect_vreg.gather [hbm4b:s2+s3], $0x80, v3, vm0, $0xb8;
	[tilespmem:$0x1E100] =	vst v63  }
0x121: {  	s26 =	simm.s32 $0xF900  }
0x122: {  	[tilespmem:s26], [sflag:$0x3] =	stream.indirect_vreg.gather [hbm4b:s5+s3], $0x80, v3, vm0, $0xb8;
	[tilespmem:$0x1E100] =	vst v63  }
0x123: {  	s30 =	simm.s32 $0x10100  }
0x124: {  	[tilespmem:s30], [sflag:$0x3] =	stream.indirect_vreg.gather [hbm4b:s6+s3], $0x80, v3, vm0, $0xb8;
	[tilespmem:$0x1E100] =	vst v63  }
0x125: {  	s22 =	simm.s32 $0x10900  }
0x126: {  	[tilespmem:s22], [sflag:$0x3] =	stream.indirect_vreg.gather [hbm4b:s7+s3], $0x80, v3, vm0, $0xb8;
	[tilespmem:$0x1E100] =	vst v63  }
0x127: {  	s23 =	simm.s32 $0x11100  }
0x128: {  	[tilespmem:s23], [sflag:$0x3] =	stream.indirect_vreg.gather [hbm4b:s8+s3], $0x80, v3, vm0, $0xb8;
	[tilespmem:$0x1E100] =	vst v63  }
0x129: {  	s24 =	simm.s32 $0x11900  }
0x12a: {  	[tilespmem:s24], [sflag:$0x3] =	stream.indirect_vreg.gather [hbm4b:s9+s3], $0x80, v3, vm0, $0xb8;
	[tilespmem:$0x1E100] =	vst v63  }
0x12b: {  	_ =	swait.ge [sflag:s29], $0x6000  }
0x12c: {  	[sflag:s29] =	ssyncset.done $0x0  }
0x12d: {  	s26 =	rddreg [dreg:$0x7];
	[sflag:s29] =	ssyncadd.s32 $0xFFFFA000  }
0x12e: {  	[hbm4b:s26+s3] =	stream.linear.scatter [tilespmem:s19], [sflag:$0x9], $0x6000, $0x38;
	[tilespmem:$0x1E100] =	vst v63  }
0x12f: {  	_ =	swait.ge [sflag:s13], $0x6000  }
0x130: {  	[sflag:s13] =	ssyncset.done $0x0  }
0x131: {  	[sflag:s13] =	ssyncadd.s32 $0xFFFFA000  }
0x132: {  	v3 =	vld [tilespmem:$0x80];
	_ =	sdelay $0x4  }
0x133: {  	v56 =	vshrl.u32 v3, $0x3  }
0x134: {  	v4 =	vmul.u32 $0x60, v56  }
0x135: {  	v3 =	vand.u32 $0x7, v3  }
0x136: {  	v3 =	vor.u32 v3, v4  }
0x137: {  	v4 =	vperm.xlane v3, v0;
	_ =	sdelay $0x1  }
0x138: {  	v4 =	vadd.s32 v1, v4;
	_ =	sdelay $0x4  }
0x139: {  	[tilespmem:s19], [sflag:$0x4] =	stream.indirect_vreg.gather [hbm4b:s2+s3], $0x80, v4, vm0, $0xb8;
	[tilespmem:$0x1E100] =	vst v63  }
0x13a: {  	s30 =	simm.s32 $0x12900  }
0x13b: {  	[tilespmem:s30], [sflag:$0x4] =	stream.indirect_vreg.gather [hbm4b:s5+s3], $0x80, v4, vm0, $0xb8;
	[tilespmem:$0x1E100] =	vst v63  }
0x13c: {  	s22 =	simm.s32 $0x13100  }
0x13d: {  	[tilespmem:s22], [sflag:$0x4] =	stream.indirect_vreg.gather [hbm4b:s6+s3], $0x80, v4, vm0, $0xb8;
	[tilespmem:$0x1E100] =	vst v63  }
0x13e: {  	s23 =	simm.s32 $0x13900;
	v3 =	vperm.xlane v3, v2  }
0x13f: {  	[tilespmem:s23], [sflag:$0x4] =	stream.indirect_vreg.gather [hbm4b:s7+s3], $0x80, v4, vm0, $0xb8;
	[tilespmem:$0x1E100] =	vst v63  }
0x140: {  	s24 =	simm.s32 $0x14100;
	v3 =	vadd.s32 v1, v3  }
0x141: {  	[tilespmem:s24], [sflag:$0x4] =	stream.indirect_vreg.gather [hbm4b:s8+s3], $0x80, v4, vm0, $0xb8;
	[tilespmem:$0x1E100] =	vst v63  }
0x142: {  	s26 =	simm.s32 $0x14900  }
0x143: {  	[tilespmem:s26], [sflag:$0x4] =	stream.indirect_vreg.gather [hbm4b:s9+s3], $0x80, v4, vm0, $0xb8;
	[tilespmem:$0x1E100] =	vst v63  }
0x144: {  	s30 =	simm.s32 $0x15100  }
0x145: {  	[tilespmem:s30], [sflag:$0x4] =	stream.indirect_vreg.gather [hbm4b:s2+s3], $0x80, v3, vm0, $0xb8;
	[tilespmem:$0x1E100] =	vst v63  }
0x146: {  	s22 =	simm.s32 $0x15900  }
0x147: {  	[tilespmem:s22], [sflag:$0x4] =	stream.indirect_vreg.gather [hbm4b:s5+s3], $0x80, v3, vm0, $0xb8;
	[tilespmem:$0x1E100] =	vst v63  }
0x148: {  	s23 =	simm.s32 $0x16100  }
0x149: {  	[tilespmem:s23], [sflag:$0x4] =	stream.indirect_vreg.gather [hbm4b:s6+s3], $0x80, v3, vm0, $0xb8;
	[tilespmem:$0x1E100] =	vst v63  }
0x14a: {  	s24 =	simm.s32 $0x16900  }
0x14b: {  	[tilespmem:s24], [sflag:$0x4] =	stream.indirect_vreg.gather [hbm4b:s7+s3], $0x80, v3, vm0, $0xb8;
	[tilespmem:$0x1E100] =	vst v63  }
0x14c: {  	s26 =	simm.s32 $0x17100  }
0x14d: {  	[tilespmem:s26], [sflag:$0x4] =	stream.indirect_vreg.gather [hbm4b:s8+s3], $0x80, v3, vm0, $0xb8;
	[tilespmem:$0x1E100] =	vst v63  }
0x14e: {  	s30 =	simm.s32 $0x17900  }
0x14f: {  	[tilespmem:s30], [sflag:$0x4] =	stream.indirect_vreg.gather [hbm4b:s9+s3], $0x80, v3, vm0, $0xb8;
	[tilespmem:$0x1E100] =	vst v63  }
0x150: {  	_ =	swait.ge [sflag:s14], $0x6000  }
0x151: {  	[sflag:s14] =	ssyncset.done $0x0  }
0x152: {  	s22 =	rddreg [dreg:$0x8];
	[sflag:s14] =	ssyncadd.s32 $0xFFFFA000  }
0x153: {  	[hbm4b:s22+s3] =	stream.linear.scatter [tilespmem:s20], [sflag:$0xA], $0x6000, $0x38;
	[tilespmem:$0x1E100] =	vst v63  }
0x154: {  	_ =	swait.ge [sflag:s15], $0x6000  }
0x155: {  	[sflag:s15] =	ssyncset.done $0x0  }
0x156: {  	[sflag:s15] =	ssyncadd.s32 $0xFFFFA000  }
0x157: {  	v3 =	vld [tilespmem:$0x90];
	_ =	sdelay $0x4  }
0x158: {  	v57 =	vshrl.u32 v3, $0x3  }
0x159: {  	v4 =	vmul.u32 $0x60, v57  }
0x15a: {  	v3 =	vand.u32 $0x7, v3  }
0x15b: {  	v3 =	vor.u32 v3, v4  }
0x15c: {  	v4 =	vperm.xlane v3, v0;
	_ =	sdelay $0x1  }
0x15d: {  	v4 =	vadd.s32 v1, v4;
	_ =	sdelay $0x4  }
0x15e: {  	[tilespmem:s20], [sflag:$0x5] =	stream.indirect_vreg.gather [hbm4b:s2+s3], $0x80, v4, vm0, $0xb8;
	[tilespmem:$0x1E100] =	vst v63  }
0x15f: {  	s23 =	simm.s32 $0x18900  }
0x160: {  	[tilespmem:s23], [sflag:$0x5] =	stream.indirect_vreg.gather [hbm4b:s5+s3], $0x80, v4, vm0, $0xb8;
	[tilespmem:$0x1E100] =	vst v63  }
0x161: {  	s24 =	simm.s32 $0x19100  }
0x162: {  	[tilespmem:s24], [sflag:$0x5] =	stream.indirect_vreg.gather [hbm4b:s6+s3], $0x80, v4, vm0, $0xb8;
	[tilespmem:$0x1E100] =	vst v63  }
0x163: {  	s26 =	simm.s32 $0x19900;
	v3 =	vperm.xlane v3, v2  }
0x164: {  	[tilespmem:s26], [sflag:$0x5] =	stream.indirect_vreg.gather [hbm4b:s7+s3], $0x80, v4, vm0, $0xb8;
	[tilespmem:$0x1E100] =	vst v63  }
0x165: {  	s30 =	simm.s32 $0x1A100;
	v3 =	vadd.s32 v1, v3  }
0x166: {  	[tilespmem:s30], [sflag:$0x5] =	stream.indirect_vreg.gather [hbm4b:s8+s3], $0x80, v4, vm0, $0xb8;
	[tilespmem:$0x1E100] =	vst v63  }
0x167: {  	s22 =	simm.s32 $0x1A900  }
0x168: {  	[tilespmem:s22], [sflag:$0x5] =	stream.indirect_vreg.gather [hbm4b:s9+s3], $0x80, v4, vm0, $0xb8;
	[tilespmem:$0x1E100] =	vst v63  }
0x169: {  	s23 =	simm.s32 $0x1B100  }
0x16a: {  	[tilespmem:s23], [sflag:$0x5] =	stream.indirect_vreg.gather [hbm4b:s2+s3], $0x80, v3, vm0, $0xb8;
	[tilespmem:$0x1E100] =	vst v63  }
0x16b: {  	s24 =	simm.s32 $0x1B900  }
0x16c: {  	[tilespmem:s24], [sflag:$0x5] =	stream.indirect_vreg.gather [hbm4b:s5+s3], $0x80, v3, vm0, $0xb8;
	[tilespmem:$0x1E100] =	vst v63  }
0x16d: {  	s26 =	simm.s32 $0x1C100  }
0x16e: {  	[tilespmem:s26], [sflag:$0x5] =	stream.indirect_vreg.gather [hbm4b:s6+s3], $0x80, v3, vm0, $0xb8;
	[tilespmem:$0x1E100] =	vst v63  }
0x16f: {  	s30 =	simm.s32 $0x1C900  }
0x170: {  	[tilespmem:s30], [sflag:$0x5] =	stream.indirect_vreg.gather [hbm4b:s7+s3], $0x80, v3, vm0, $0xb8;
	[tilespmem:$0x1E100] =	vst v63  }
0x171: {  	s22 =	simm.s32 $0x1D100  }
0x172: {  	[tilespmem:s22], [sflag:$0x5] =	stream.indirect_vreg.gather [hbm4b:s8+s3], $0x80, v3, vm0, $0xb8;
	[tilespmem:$0x1E100] =	vst v63  }
0x173: {  	s23 =	simm.s32 $0x1D900  }
0x174: {  	[tilespmem:s23], [sflag:$0x5] =	stream.indirect_vreg.gather [hbm4b:s9+s3], $0x80, v3, vm0, $0xb8;
	[tilespmem:$0x1E100] =	vst v63  }
0x175: {  	_ =	swait.ge [sflag:s31], $0x6000  }
0x176: {  	[sflag:s31] =	ssyncset.done $0x0  }
0x177: {  	s24 =	rddreg [dreg:$0x9];
	[sflag:s31] =	ssyncadd.s32 $0xFFFFA000  }
0x178: {  	[hbm4b:s24+s3] =	stream.linear.scatter [tilespmem:s0], [sflag:$0x6], $0x6000, $0x38;
	[tilespmem:$0x1E100] =	vst v63  }
0x179: {  	_ =	swait.ge [sflag:s1], $0x6000  }
0x17a: {  	[sflag:s1] =	ssyncset.done $0x0  }
0x17b: {  	[sflag:s1] =	ssyncadd.s32 $0xFFFFA000  }
0x17c: {  	v3 =	vld [tilespmem:$0xA0];
	_ =	sdelay $0x4  }
0x17d: {  	v58 =	vshrl.u32 v3, $0x3  }
0x17e: {  	v4 =	vmul.u32 $0x60, v58  }
0x17f: {  	v3 =	vand.u32 $0x7, v3  }
0x180: {  	v3 =	vor.u32 v3, v4  }
0x181: {  	v4 =	vperm.xlane v3, v0;
	_ =	sdelay $0x1  }
0x182: {  	v4 =	vadd.s32 v1, v4;
	_ =	sdelay $0x4  }
0x183: {  	[tilespmem:s0], [sflag:$0x1] =	stream.indirect_vreg.gather [hbm4b:s2+s3], $0x80, v4, vm0, $0xb8;
	[tilespmem:$0x1E100] =	vst v63  }
0x184: {  	s26 =	simm.s32 $0x900  }
0x185: {  	[tilespmem:s26], [sflag:$0x1] =	stream.indirect_vreg.gather [hbm4b:s5+s3], $0x80, v4, vm0, $0xb8;
	[tilespmem:$0x1E100] =	vst v63  }
0x186: {  	_ = 	snop  }
0x187: {  	[tilespmem:s4], [sflag:$0x1] =	stream.indirect_vreg.gather [hbm4b:s6+s3], $0x80, v4, vm0, $0xb8;
	[tilespmem:$0x1E100] =	vst v63  }
0x188: {  	s30 =	simm.s32 $0x1900;
	v3 =	vperm.xlane v3, v2  }
0x189: {  	[tilespmem:s30], [sflag:$0x1] =	stream.indirect_vreg.gather [hbm4b:s7+s3], $0x80, v4, vm0, $0xb8;
	[tilespmem:$0x1E100] =	vst v63  }
0x18a: {  	s18 =	simm.s32 $0x2100;
	v3 =	vadd.s32 v1, v3  }
0x18b: {  	[tilespmem:s18], [sflag:$0x1] =	stream.indirect_vreg.gather [hbm4b:s8+s3], $0x80, v4, vm0, $0xb8;
	[tilespmem:$0x1E100] =	vst v63  }
0x18c: {  	s23 =	simm.s32 $0x2900  }
0x18d: {  	[tilespmem:s23], [sflag:$0x1] =	stream.indirect_vreg.gather [hbm4b:s9+s3], $0x80, v4, vm0, $0xb8;
	[tilespmem:$0x1E100] =	vst v63  }
0x18e: {  	s24 =	simm.s32 $0x3100  }
0x18f: {  	[tilespmem:s24], [sflag:$0x1] =	stream.indirect_vreg.gather [hbm4b:s2+s3], $0x80, v3, vm0, $0xb8;
	[tilespmem:$0x1E100] =	vst v63  }
0x190: {  	s26 =	simm.s32 $0x3900  }
0x191: {  	[tilespmem:s26], [sflag:$0x1] =	stream.indirect_vreg.gather [hbm4b:s5+s3], $0x80, v3, vm0, $0xb8;
	[tilespmem:$0x1E100] =	vst v63  }
0x192: {  	s30 =	simm.s32 $0x4100  }
0x193: {  	[tilespmem:s30], [sflag:$0x1] =	stream.indirect_vreg.gather [hbm4b:s6+s3], $0x80, v3, vm0, $0xb8;
	[tilespmem:$0x1E100] =	vst v63  }
0x194: {  	s16 =	simm.s32 $0x4900  }
0x195: {  	[tilespmem:s16], [sflag:$0x1] =	stream.indirect_vreg.gather [hbm4b:s7+s3], $0x80, v3, vm0, $0xb8;
	[tilespmem:$0x1E100] =	vst v63  }
0x196: {  	s16 =	simm.s32 $0x5100  }
0x197: {  	[tilespmem:s16], [sflag:$0x1] =	stream.indirect_vreg.gather [hbm4b:s8+s3], $0x80, v3, vm0, $0xb8;
	[tilespmem:$0x1E100] =	vst v63  }
0x198: {  	s16 =	simm.s32 $0x5900  }
0x199: {  	[tilespmem:s16], [sflag:$0x1] =	stream.indirect_vreg.gather [hbm4b:s9+s3], $0x80, v3, vm0, $0xb8;
	[tilespmem:$0x1E100] =	vst v63  }
0x19a: {  	_ =	swait.ge [sflag:s21], $0x6000  }
0x19b: {  	[sflag:s21] =	ssyncset.done $0x0  }
0x19c: {  	s16 =	rddreg [dreg:$0xa];
	[sflag:s21] =	ssyncadd.s32 $0xFFFFA000  }
0x19d: {  	[hbm4b:s16+s3] =	stream.linear.scatter [tilespmem:s17], [sflag:$0x7], $0x6000, $0x38;
	[tilespmem:$0x1E100] =	vst v63  }
0x19e: {  	_ =	swait.ge [sflag:s11], $0x6000  }
0x19f: {  	[sflag:s11] =	ssyncset.done $0x0  }
0x1a0: {  	[sflag:s11] =	ssyncadd.s32 $0xFFFFA000  }
0x1a1: {  	v3 =	vld [tilespmem:$0xB0];
	_ =	sdelay $0x4  }
0x1a2: {  	v59 =	vshrl.u32 v3, $0x3  }
0x1a3: {  	v4 =	vmul.u32 $0x60, v59  }
0x1a4: {  	v3 =	vand.u32 $0x7, v3  }
0x1a5: {  	v3 =	vor.u32 v3, v4  }
0x1a6: {  	v4 =	vperm.xlane v3, v0;
	_ =	sdelay $0x1  }
0x1a7: {  	v4 =	vadd.s32 v1, v4;
	_ =	sdelay $0x4  }
0x1a8: {  	[tilespmem:s17], [sflag:$0x2] =	stream.indirect_vreg.gather [hbm4b:s2+s3], $0x80, v4, vm0, $0xb8;
	[tilespmem:$0x1E100] =	vst v63  }
0x1a9: {  	s16 =	simm.s32 $0x6900  }
0x1aa: {  	[tilespmem:s16], [sflag:$0x2] =	stream.indirect_vreg.gather [hbm4b:s5+s3], $0x80, v4, vm0, $0xb8;
	[tilespmem:$0x1E100] =	vst v63  }
0x1ab: {  	s16 =	simm.s32 $0x7100  }
0x1ac: {  	[tilespmem:s16], [sflag:$0x2] =	stream.indirect_vreg.gather [hbm4b:s6+s3], $0x80, v4, vm0, $0xb8;
	[tilespmem:$0x1E100] =	vst v63  }
0x1ad: {  	v3 =	vperm.xlane v3, v2;
	s16 =	simm.s32 $0x7900  }
0x1ae: {  	[tilespmem:s16], [sflag:$0x2] =	stream.indirect_vreg.gather [hbm4b:s7+s3], $0x80, v4, vm0, $0xb8;
	[tilespmem:$0x1E100] =	vst v63  }
0x1af: {  	v3 =	vadd.s32 v1, v3;
	s16 =	simm.s32 $0x8100  }
0x1b0: {  	[tilespmem:s16], [sflag:$0x2] =	stream.indirect_vreg.gather [hbm4b:s8+s3], $0x80, v4, vm0, $0xb8;
	[tilespmem:$0x1E100] =	vst v63  }
0x1b1: {  	s16 =	simm.s32 $0x8900  }
0x1b2: {  	[tilespmem:s16], [sflag:$0x2] =	stream.indirect_vreg.gather [hbm4b:s9+s3], $0x80, v4, vm0, $0xb8;
	[tilespmem:$0x1E100] =	vst v63  }
0x1b3: {  	s16 =	simm.s32 $0x9100  }
0x1b4: {  	[tilespmem:s16], [sflag:$0x2] =	stream.indirect_vreg.gather [hbm4b:s2+s3], $0x80, v3, vm0, $0xb8;
	[tilespmem:$0x1E100] =	vst v63  }
0x1b5: {  	s16 =	simm.s32 $0x9900  }
0x1b6: {  	[tilespmem:s16], [sflag:$0x2] =	stream.indirect_vreg.gather [hbm4b:s5+s3], $0x80, v3, vm0, $0xb8;
	[tilespmem:$0x1E100] =	vst v63  }
0x1b7: {  	s16 =	simm.s32 $0xA100  }
0x1b8: {  	[tilespmem:s16], [sflag:$0x2] =	stream.indirect_vreg.gather [hbm4b:s6+s3], $0x80, v3, vm0, $0xb8;
	[tilespmem:$0x1E100] =	vst v63  }
0x1b9: {  	s16 =	simm.s32 $0xA900  }
0x1ba: {  	[tilespmem:s16], [sflag:$0x2] =	stream.indirect_vreg.gather [hbm4b:s7+s3], $0x80, v3, vm0, $0xb8;
	[tilespmem:$0x1E100] =	vst v63  }
0x1bb: {  	s16 =	simm.s32 $0xB100  }
0x1bc: {  	[tilespmem:s16], [sflag:$0x2] =	stream.indirect_vreg.gather [hbm4b:s8+s3], $0x80, v3, vm0, $0xb8;
	[tilespmem:$0x1E100] =	vst v63  }
0x1bd: {  	s16 =	simm.s32 $0xB900  }
0x1be: {  	[tilespmem:s16], [sflag:$0x2] =	stream.indirect_vreg.gather [hbm4b:s9+s3], $0x80, v3, vm0, $0xb8;
	[tilespmem:$0x1E100] =	vst v63  }
0x1bf: {  	_ =	swait.ge [sflag:s25], $0x6000  }
0x1c0: {  	[sflag:s25] =	ssyncset.done $0x0  }
0x1c1: {  	s16 =	rddreg [dreg:$0xb];
	[sflag:s25] =	ssyncadd.s32 $0xFFFFA000  }
0x1c2: {  	[hbm4b:s16+s3] =	stream.linear.scatter [tilespmem:s12], [sflag:$0x8], $0x6000, $0x38;
	[tilespmem:$0x1E100] =	vst v63  }
0x1c3: {  	_ =	swait.ge [sflag:s28], $0x6000  }
0x1c4: {  	[sflag:s28] =	ssyncset.done $0x0  }
0x1c5: {  	[sflag:s28] =	ssyncadd.s32 $0xFFFFA000  }
0x1c6: {  	v3 =	vld [tilespmem:$0xC0];
	_ =	sdelay $0x4  }
0x1c7: {  	v60 =	vshrl.u32 v3, $0x3  }
0x1c8: {  	v4 =	vmul.u32 $0x60, v60  }
0x1c9: {  	v3 =	vand.u32 $0x7, v3  }
0x1ca: {  	v3 =	vor.u32 v3, v4  }
0x1cb: {  	v4 =	vperm.xlane v3, v0;
	_ =	sdelay $0x1  }
0x1cc: {  	v4 =	vadd.s32 v1, v4;
	_ =	sdelay $0x4  }
0x1cd: {  	[tilespmem:s12], [sflag:$0x3] =	stream.indirect_vreg.gather [hbm4b:s2+s3], $0x80, v4, vm0, $0xb8;
	[tilespmem:$0x1E100] =	vst v63  }
0x1ce: {  	s16 =	simm.s32 $0xC900  }
0x1cf: {  	[tilespmem:s16], [sflag:$0x3] =	stream.indirect_vreg.gather [hbm4b:s5+s3], $0x80, v4, vm0, $0xb8;
	[tilespmem:$0x1E100] =	vst v63  }
0x1d0: {  	s16 =	simm.s32 $0xD100  }
0x1d1: {  	[tilespmem:s16], [sflag:$0x3] =	stream.indirect_vreg.gather [hbm4b:s6+s3], $0x80, v4, vm0, $0xb8;
	[tilespmem:$0x1E100] =	vst v63  }
0x1d2: {  	v3 =	vperm.xlane v3, v2;
	s16 =	simm.s32 $0xD900  }
0x1d3: {  	[tilespmem:s16], [sflag:$0x3] =	stream.indirect_vreg.gather [hbm4b:s7+s3], $0x80, v4, vm0, $0xb8;
	[tilespmem:$0x1E100] =	vst v63  }
0x1d4: {  	v3 =	vadd.s32 v1, v3;
	s16 =	simm.s32 $0xE100  }
0x1d5: {  	[tilespmem:s16], [sflag:$0x3] =	stream.indirect_vreg.gather [hbm4b:s8+s3], $0x80, v4, vm0, $0xb8;
	[tilespmem:$0x1E100] =	vst v63  }
0x1d6: {  	s16 =	simm.s32 $0xE900  }
0x1d7: {  	[tilespmem:s16], [sflag:$0x3] =	stream.indirect_vreg.gather [hbm4b:s9+s3], $0x80, v4, vm0, $0xb8;
	[tilespmem:$0x1E100] =	vst v63  }
0x1d8: {  	s16 =	simm.s32 $0xF100  }
0x1d9: {  	[tilespmem:s16], [sflag:$0x3] =	stream.indirect_vreg.gather [hbm4b:s2+s3], $0x80, v3, vm0, $0xb8;
	[tilespmem:$0x1E100] =	vst v63  }
0x1da: {  	s16 =	simm.s32 $0xF900  }
0x1db: {  	[tilespmem:s16], [sflag:$0x3] =	stream.indirect_vreg.gather [hbm4b:s5+s3], $0x80, v3, vm0, $0xb8;
	[tilespmem:$0x1E100] =	vst v63  }
0x1dc: {  	s16 =	simm.s32 $0x10100  }
0x1dd: {  	[tilespmem:s16], [sflag:$0x3] =	stream.indirect_vreg.gather [hbm4b:s6+s3], $0x80, v3, vm0, $0xb8;
	[tilespmem:$0x1E100] =	vst v63  }
0x1de: {  	s16 =	simm.s32 $0x10900  }
0x1df: {  	[tilespmem:s16], [sflag:$0x3] =	stream.indirect_vreg.gather [hbm4b:s7+s3], $0x80, v3, vm0, $0xb8;
	[tilespmem:$0x1E100] =	vst v63  }
0x1e0: {  	s16 =	simm.s32 $0x11100  }
0x1e1: {  	[tilespmem:s16], [sflag:$0x3] =	stream.indirect_vreg.gather [hbm4b:s8+s3], $0x80, v3, vm0, $0xb8;
	[tilespmem:$0x1E100] =	vst v63  }
0x1e2: {  	s16 =	simm.s32 $0x11900  }
0x1e3: {  	[tilespmem:s16], [sflag:$0x3] =	stream.indirect_vreg.gather [hbm4b:s9+s3], $0x80, v3, vm0, $0xb8;
	[tilespmem:$0x1E100] =	vst v63  }
0x1e4: {  	_ =	swait.ge [sflag:s29], $0x6000  }
0x1e5: {  	[sflag:s29] =	ssyncset.done $0x0  }
0x1e6: {  	s16 =	rddreg [dreg:$0xc];
	[sflag:s29] =	ssyncadd.s32 $0xFFFFA000  }
0x1e7: {  	[hbm4b:s16+s3] =	stream.linear.scatter [tilespmem:s19], [sflag:$0x9], $0x6000, $0x38;
	[tilespmem:$0x1E100] =	vst v63  }
0x1e8: {  	_ =	swait.ge [sflag:s13], $0x6000  }
0x1e9: {  	[sflag:s13] =	ssyncset.done $0x0  }
0x1ea: {  	[sflag:s13] =	ssyncadd.s32 $0xFFFFA000  }
0x1eb: {  	v3 =	vld [tilespmem:$0xD0];
	_ =	sdelay $0x4  }
0x1ec: {  	v61 =	vshrl.u32 v3, $0x3  }
0x1ed: {  	v4 =	vmul.u32 $0x60, v61  }
0x1ee: {  	v3 =	vand.u32 $0x7, v3  }
0x1ef: {  	v3 =	vor.u32 v3, v4  }
0x1f0: {  	v4 =	vperm.xlane v3, v0;
	_ =	sdelay $0x1  }
0x1f1: {  	v4 =	vadd.s32 v1, v4;
	_ =	sdelay $0x4  }
0x1f2: {  	[tilespmem:s19], [sflag:$0x4] =	stream.indirect_vreg.gather [hbm4b:s2+s3], $0x80, v4, vm0, $0xb8;
	[tilespmem:$0x1E100] =	vst v63  }
0x1f3: {  	s16 =	simm.s32 $0x12900  }
0x1f4: {  	[tilespmem:s16], [sflag:$0x4] =	stream.indirect_vreg.gather [hbm4b:s5+s3], $0x80, v4, vm0, $0xb8;
	[tilespmem:$0x1E100] =	vst v63  }
0x1f5: {  	s16 =	simm.s32 $0x13100  }
0x1f6: {  	[tilespmem:s16], [sflag:$0x4] =	stream.indirect_vreg.gather [hbm4b:s6+s3], $0x80, v4, vm0, $0xb8;
	[tilespmem:$0x1E100] =	vst v63  }
0x1f7: {  	v3 =	vperm.xlane v3, v2;
	s16 =	simm.s32 $0x13900  }
0x1f8: {  	[tilespmem:s16], [sflag:$0x4] =	stream.indirect_vreg.gather [hbm4b:s7+s3], $0x80, v4, vm0, $0xb8;
	[tilespmem:$0x1E100] =	vst v63  }
0x1f9: {  	v3 =	vadd.s32 v1, v3;
	s16 =	simm.s32 $0x14100  }
0x1fa: {  	[tilespmem:s16], [sflag:$0x4] =	stream.indirect_vreg.gather [hbm4b:s8+s3], $0x80, v4, vm0, $0xb8;
	[tilespmem:$0x1E100] =	vst v63  }
0x1fb: {  	s16 =	simm.s32 $0x14900  }
0x1fc: {  	[tilespmem:s16], [sflag:$0x4] =	stream.indirect_vreg.gather [hbm4b:s9+s3], $0x80, v4, vm0, $0xb8;
	[tilespmem:$0x1E100] =	vst v63  }
0x1fd: {  	s16 =	simm.s32 $0x15100  }
0x1fe: {  	[tilespmem:s16], [sflag:$0x4] =	stream.indirect_vreg.gather [hbm4b:s2+s3], $0x80, v3, vm0, $0xb8;
	[tilespmem:$0x1E100] =	vst v63  }
0x1ff: {  	s16 =	simm.s32 $0x15900  }
0x200: {  	[tilespmem:s16], [sflag:$0x4] =	stream.indirect_vreg.gather [hbm4b:s5+s3], $0x80, v3, vm0, $0xb8;
	[tilespmem:$0x1E100] =	vst v63  }
0x201: {  	s16 =	simm.s32 $0x16100  }
0x202: {  	[tilespmem:s16], [sflag:$0x4] =	stream.indirect_vreg.gather [hbm4b:s6+s3], $0x80, v3, vm0, $0xb8;
	[tilespmem:$0x1E100] =	vst v63  }
0x203: {  	s16 =	simm.s32 $0x16900  }
0x204: {  	[tilespmem:s16], [sflag:$0x4] =	stream.indirect_vreg.gather [hbm4b:s7+s3], $0x80, v3, vm0, $0xb8;
	[tilespmem:$0x1E100] =	vst v63  }
0x205: {  	s16 =	simm.s32 $0x17100  }
0x206: {  	[tilespmem:s16], [sflag:$0x4] =	stream.indirect_vreg.gather [hbm4b:s8+s3], $0x80, v3, vm0, $0xb8;
	[tilespmem:$0x1E100] =	vst v63  }
0x207: {  	s16 =	simm.s32 $0x17900  }
0x208: {  	[tilespmem:s16], [sflag:$0x4] =	stream.indirect_vreg.gather [hbm4b:s9+s3], $0x80, v3, vm0, $0xb8;
	[tilespmem:$0x1E100] =	vst v63  }
0x209: {  	_ =	swait.ge [sflag:s14], $0x6000  }
0x20a: {  	[sflag:s14] =	ssyncset.done $0x0  }
0x20b: {  	s16 =	rddreg [dreg:$0xd];
	[sflag:s14] =	ssyncadd.s32 $0xFFFFA000  }
0x20c: {  	[hbm4b:s16+s3] =	stream.linear.scatter [tilespmem:s20], [sflag:$0xA], $0x6000, $0x38;
	[tilespmem:$0x1E100] =	vst v63  }
0x20d: {  	_ =	swait.ge [sflag:s15], $0x6000  }
0x20e: {  	[sflag:s15] =	ssyncset.done $0x0  }
0x20f: {  	[sflag:s15] =	ssyncadd.s32 $0xFFFFA000  }
0x210: {  	v3 =	vld [tilespmem:$0xE0];
	_ =	sdelay $0x4  }
0x211: {  	v62 =	vshrl.u32 v3, $0x3  }
0x212: {  	v4 =	vmul.u32 $0x60, v62  }
0x213: {  	v3 =	vand.u32 $0x7, v3  }
0x214: {  	v3 =	vor.u32 v3, v4  }
0x215: {  	v4 =	vperm.xlane v3, v0;
	_ =	sdelay $0x1  }
0x216: {  	v4 =	vadd.s32 v1, v4;
	_ =	sdelay $0x4  }
0x217: {  	[tilespmem:s20], [sflag:$0x5] =	stream.indirect_vreg.gather [hbm4b:s2+s3], $0x80, v4, vm0, $0xb8;
	[tilespmem:$0x1E100] =	vst v63  }
0x218: {  	s16 =	simm.s32 $0x18900  }
0x219: {  	[tilespmem:s16], [sflag:$0x5] =	stream.indirect_vreg.gather [hbm4b:s5+s3], $0x80, v4, vm0, $0xb8;
	[tilespmem:$0x1E100] =	vst v63  }
0x21a: {  	s16 =	simm.s32 $0x19100  }
0x21b: {  	[tilespmem:s16], [sflag:$0x5] =	stream.indirect_vreg.gather [hbm4b:s6+s3], $0x80, v4, vm0, $0xb8;
	[tilespmem:$0x1E100] =	vst v63  }
0x21c: {  	v3 =	vperm.xlane v3, v2;
	s16 =	simm.s32 $0x19900  }
0x21d: {  	[tilespmem:s16], [sflag:$0x5] =	stream.indirect_vreg.gather [hbm4b:s7+s3], $0x80, v4, vm0, $0xb8;
	[tilespmem:$0x1E100] =	vst v63  }
0x21e: {  	v3 =	vadd.s32 v1, v3;
	s16 =	simm.s32 $0x1A100  }
0x21f: {  	[tilespmem:s16], [sflag:$0x5] =	stream.indirect_vreg.gather [hbm4b:s8+s3], $0x80, v4, vm0, $0xb8;
	[tilespmem:$0x1E100] =	vst v63  }
0x220: {  	s16 =	simm.s32 $0x1A900  }
0x221: {  	[tilespmem:s16], [sflag:$0x5] =	stream.indirect_vreg.gather [hbm4b:s9+s3], $0x80, v4, vm0, $0xb8;
	[tilespmem:$0x1E100] =	vst v63  }
0x222: {  	s16 =	simm.s32 $0x1B100  }
0x223: {  	[tilespmem:s16], [sflag:$0x5] =	stream.indirect_vreg.gather [hbm4b:s2+s3], $0x80, v3, vm0, $0xb8;
	[tilespmem:$0x1E100] =	vst v63  }
0x224: {  	s16 =	simm.s32 $0x1B900  }
0x225: {  	[tilespmem:s16], [sflag:$0x5] =	stream.indirect_vreg.gather [hbm4b:s5+s3], $0x80, v3, vm0, $0xb8;
	[tilespmem:$0x1E100] =	vst v63  }
0x226: {  	s16 =	simm.s32 $0x1C100  }
0x227: {  	[tilespmem:s16], [sflag:$0x5] =	stream.indirect_vreg.gather [hbm4b:s6+s3], $0x80, v3, vm0, $0xb8;
	[tilespmem:$0x1E100] =	vst v63  }
0x228: {  	s16 =	simm.s32 $0x1C900  }
0x229: {  	[tilespmem:s16], [sflag:$0x5] =	stream.indirect_vreg.gather [hbm4b:s7+s3], $0x80, v3, vm0, $0xb8;
	[tilespmem:$0x1E100] =	vst v63  }
0x22a: {  	s16 =	simm.s32 $0x1D100  }
0x22b: {  	[tilespmem:s16], [sflag:$0x5] =	stream.indirect_vreg.gather [hbm4b:s8+s3], $0x80, v3, vm0, $0xb8;
	[tilespmem:$0x1E100] =	vst v63  }
0x22c: {  	s16 =	simm.s32 $0x1D900  }
0x22d: {  	[tilespmem:s16], [sflag:$0x5] =	stream.indirect_vreg.gather [hbm4b:s9+s3], $0x80, v3, vm0, $0xb8;
	[tilespmem:$0x1E100] =	vst v63  }
0x22e: {  	_ =	swait.ge [sflag:s31], $0x6000  }
0x22f: {  	[sflag:s31] =	ssyncset.done $0x0  }
0x230: {  	s16 =	rddreg [dreg:$0xe];
	[sflag:s31] =	ssyncadd.s32 $0xFFFFA000  }
0x231: {  	[hbm4b:s16+s3] =	stream.linear.scatter [tilespmem:s0], [sflag:$0x6], $0x6000, $0x38;
	[tilespmem:$0x1E100] =	vst v63  }
0x232: {  	_ =	swait.ge [sflag:s1], $0x6000  }
0x233: {  	[sflag:s1] =	ssyncset.done $0x0  }
0x234: {  	[sflag:s1] =	ssyncadd.s32 $0xFFFFA000  }
0x235: {  	v3 =	vld [tilespmem:$0xF0];
	_ =	sdelay $0x4  }
0x236: {  	v63 =	vshrl.u32 v3, $0x3  }
0x237: {  	v4 =	vmul.u32 $0x60, v63  }
0x238: {  	v3 =	vand.u32 $0x7, v3  }
0x239: {  	v3 =	vor.u32 v3, v4  }
0x23a: {  	v4 =	vperm.xlane v3, v0;
	_ =	sdelay $0x1  }
0x23b: {  	v4 =	vadd.s32 v1, v4;
	_ =	sdelay $0x4  }
0x23c: {  	[tilespmem:s0], [sflag:$0x1] =	stream.indirect_vreg.gather [hbm4b:s2+s3], $0x80, v4, vm0, $0xb8;
	[tilespmem:$0x1E100] =	vst v63  }
0x23d: {  	s22 =	simm.s32 $0x900  }
0x23e: {  	[tilespmem:s22], [sflag:$0x1] =	stream.indirect_vreg.gather [hbm4b:s5+s3], $0x80, v4, vm0, $0xb8;
	[tilespmem:$0x1E100] =	vst v63  }
0x23f: {  	s4 =	simm.s32 $0x1100  }
0x240: {  	[tilespmem:s4], [sflag:$0x1] =	stream.indirect_vreg.gather [hbm4b:s6+s3], $0x80, v4, vm0, $0xb8;
	[tilespmem:$0x1E100] =	vst v63  }
0x241: {  	v3 =	vperm.xlane v3, v2;
	s22 =	simm.s32 $0x1900  }
0x242: {  	[tilespmem:s22], [sflag:$0x1] =	stream.indirect_vreg.gather [hbm4b:s7+s3], $0x80, v4, vm0, $0xb8;
	[tilespmem:$0x1E100] =	vst v63  }
0x243: {  	s18 =	simm.s32 $0x2100;
	v3 =	vadd.s32 v1, v3  }
0x244: {  	[tilespmem:s18], [sflag:$0x1] =	stream.indirect_vreg.gather [hbm4b:s8+s3], $0x80, v4, vm0, $0xb8;
	[tilespmem:$0x1E100] =	vst v63  }
0x245: {  	s23 =	simm.s32 $0x2900  }
0x246: {  	[tilespmem:s23], [sflag:$0x1] =	stream.indirect_vreg.gather [hbm4b:s9+s3], $0x80, v4, vm0, $0xb8;
	[tilespmem:$0x1E100] =	vst v63  }
0x247: {  	s24 =	simm.s32 $0x3100  }
0x248: {  	[tilespmem:s24], [sflag:$0x1] =	stream.indirect_vreg.gather [hbm4b:s2+s3], $0x80, v3, vm0, $0xb8;
	[tilespmem:$0x1E100] =	vst v63  }
0x249: {  	s26 =	simm.s32 $0x3900  }
0x24a: {  	[tilespmem:s26], [sflag:$0x1] =	stream.indirect_vreg.gather [hbm4b:s5+s3], $0x80, v3, vm0, $0xb8;
	[tilespmem:$0x1E100] =	vst v63  }
0x24b: {  	s30 =	simm.s32 $0x4100  }
0x24c: {  	[tilespmem:s30], [sflag:$0x1] =	stream.indirect_vreg.gather [hbm4b:s6+s3], $0x80, v3, vm0, $0xb8;
	[tilespmem:$0x1E100] =	vst v63  }
0x24d: {  	s30 =	simm.s32 $0x4900  }
0x24e: {  	[tilespmem:s30], [sflag:$0x1] =	stream.indirect_vreg.gather [hbm4b:s7+s3], $0x80, v3, vm0, $0xb8;
	[tilespmem:$0x1E100] =	vst v63  }
0x24f: {  	s16 =	simm.s32 $0x5100  }
0x250: {  	[tilespmem:s16], [sflag:$0x1] =	stream.indirect_vreg.gather [hbm4b:s8+s3], $0x80, v3, vm0, $0xb8;
	[tilespmem:$0x1E100] =	vst v63  }
0x251: {  	s18 =	simm.s32 $0x5900  }
0x252: {  	[tilespmem:s18], [sflag:$0x1] =	stream.indirect_vreg.gather [hbm4b:s9+s3], $0x80, v3, vm0, $0xb8;
	[tilespmem:$0x1E100] =	vst v63  }
0x253: {  	_ =	swait.ge [sflag:s21], $0x6000  }
0x254: {  	[sflag:s21] =	ssyncset.done $0x0  }
0x255: {  	s22 =	rddreg [dreg:$0xf];
	[sflag:s21] =	ssyncadd.s32 $0xFFFFA000  }
0x256: {  	[hbm4b:s22+s3] =	stream.linear.scatter [tilespmem:s17], [sflag:$0x7], $0x6000, $0x38;
	[tilespmem:$0x1E100] =	vst v63  }
0x257: {  	_ =	swait.ge [sflag:s25], $0x6000  }
0x258: {  	[sflag:s25] =	ssyncset.done $0x0  }
0x259: {  	s23 =	rddreg [dreg:$0x10];
	[sflag:s25] =	ssyncadd.s32 $0xFFFFA000  }
0x25a: {  	[hbm4b:s23+s3] =	stream.linear.scatter [tilespmem:s12], [sflag:$0x8], $0x6000, $0x38;
	[tilespmem:$0x1E100] =	vst v63  }
0x25b: {  	_ =	swait.ge [sflag:s29], $0x6000  }
0x25c: {  	[sflag:s29] =	ssyncset.done $0x0  }
0x25d: {  	s24 =	rddreg [dreg:$0x11];
	[sflag:s29] =	ssyncadd.s32 $0xFFFFA000  }
0x25e: {  	[hbm4b:s24+s3] =	stream.linear.scatter [tilespmem:s19], [sflag:$0x9], $0x6000, $0x38;
	[tilespmem:$0x1E100] =	vst v63  }
0x25f: {  	_ =	swait.ge [sflag:s14], $0x6000  }
0x260: {  	[sflag:s14] =	ssyncset.done $0x0  }
0x261: {  	s26 =	rddreg [dreg:$0x12];
	[sflag:s14] =	ssyncadd.s32 $0xFFFFA000  }
0x262: {  	[hbm4b:s26+s3] =	stream.linear.scatter [tilespmem:s20], [sflag:$0xA], $0x6000, $0x38;
	[tilespmem:$0x1E100] =	vst v63  }
0x263: {  	_ =	swait.ge [sflag:s31], $0x6000  }
0x264: {  	[sflag:s31] =	ssyncset.done $0x0  }
0x265: {  	s30 =	rddreg [dreg:$0x13];
	[sflag:s31] =	ssyncadd.s32 $0xFFFFA000  }
0x266: {  	[hbm4b:s30+s3] =	stream.linear.scatter [tilespmem:s0], [sflag:$0x6], $0x6000, $0x38;
	[tilespmem:$0x1E100] =	vst v63  }
0x267: {  	_ =	swait.ge [sflag:s1], $0x6000  }
0x268: {  	[sflag:s1] =	ssyncset.done $0x0  }
0x269: {  	[sflag:s1] =	ssyncadd.s32 $0xFFFFA000  }
0x26a: {  	_ =	swait.ge [sflag:s11], $0x6000  }
0x26b: {  	[sflag:s11] =	ssyncset.done $0x0  }
0x26c: {  	[sflag:s11] =	ssyncadd.s32 $0xFFFFA000  }
0x26d: {  	_ =	swait.ge [sflag:s28], $0x6000  }
0x26e: {  	[sflag:s28] =	ssyncset.done $0x0  }
0x26f: {  	[sflag:s28] =	ssyncadd.s32 $0xFFFFA000  }
0x270: {  	p0 =	sne.s32 s10, $0x1;
	_ =	swait.ge [sflag:s13], $0x6000  }
.Ltmp0:
0x271: {  	[sflag:s13] =	ssyncset.done $0x0;
	(pc) =	sbr.rel @p0 .LBB2_1-.Ltmp0, $4  }
0x272: {  	[sflag:s13] =	ssyncadd.s32 $0xFFFFA000  }
0x273: {  	_ =	swait.ge [sflag:s15], $0x6000  }
0x274: {  	[sflag:s15] =	ssyncset.done $0x0  }
0x275: {  	s10 =	sadd.s32 $0xFFFFFFFF, s10;
	[sflag:s15] =	ssyncadd.s32 $0xFFFFA000  }
0x276: {  	_ =	sfence.sel $0x180000  }
0x277: {  	[bflag:$0x0] =	sbarrier.arrive $0xFFFF  }
0x278: {  	_ =	strace $0x90000047  }
0x279: {  	s0 =	stileid.u32;
	[bflag:$0x2] =	sbarrier.arrive $0xFFFF  }
0x27a: {  	p0 =	sne.s32 s0, $0x0;
	s0 =	rddreg [dreg:$0x3]  }
0x27b: {  	s0 =	sadd.s32 @!p0 $0x100000, s0  }
0x27c: {  	[sflag:s0] =	ssyncadd.tile.s32 @!p0 $0x1;
	_ =	shalt  }
.Lfunc_end2:
_tile_overlayer_lowered:
.L_overlay_start_2:
0x27d: {  	(tag) =	ssettag $0x2  }
0x27e: {  	s0 =	rddreg [dreg:$0x0];
	s2 =	stileid.u32  }
0x27f: {  	s1 =	rddreg [dreg:$0x1];
	p0 =	sne.s32 s2, $0x0  }
0x280: {  	s3 =	rddreg [dreg:$0x2];
	[bflag:$0x3] =	sbarrier.arrive $0xFFFF;
	s2 =	simm.s32 @!p0 $0x1C0B  }
0x281: {  	[timem:s3], [sflag:s2] =	dma.local @!p0 [hbm:s0], s1  }
0x282: {  	s0 =	simm.s32 @!p0 $0xB  }
0x283: {  	_ =	swait.ge @!p0 [sflag:s0], s1  }
0x284: {  	s1 =	ssub.s32 @!p0 $0x0, s1;
	[sflag:s0] =	ssyncset.done @!p0 $0x0  }
0x285: {  	[sflag:s0] =	ssyncadd.s32 @!p0 s1  }
0x286: {  	[bflag:$0x3] =	sbarrier.arrive $0xFFFF  }
0x287: {  	_ =	shalt  }

</sc_bundles>
